<compile_context>
chip_gen: v7x
topology: tpu7x:2x2x1
jax: 0.10.2.dev20260603
libtpu: 0.0.44.dev20260713+nightly
codegen_flags: <defaults>
</compile_context>

<pallas_src>
import functools

import jax
import jax.numpy as jnp
from jax import lax
from jax.experimental import pallas as pl
from jax.experimental.pallas import tpu as pltpu
from jax.experimental.pallas import tpu_sc as plsc

N = 10000
E = 320000
D = 128
G = 64
OUT = 10
NP = 10240
NW = 32
KCH = 79
CH = 128
EP = NW * KCH * CH
RPT = NP // 16
DW = 16

_f32 = jnp.float32



def _mm_body(x_ref, w_ref, o_ref):
    o_ref[...] = jnp.dot(x_ref[...], w_ref[...], preferred_element_type=_f32)


def _scale_body(xw_ref, dp_ref, o_ref):
    cnt = dp_ref[0, :, :1] + dp_ref[1, :, :1]
    dinv = lax.rsqrt(cnt + 1.0)
    o_ref[...] = xw_ref[...] * dinv


def _mid_body(p_ref, xw_ref, dp_ref, w2_ref, b1_ref, xw2_ref, y2_ref):
    cnt = dp_ref[0, :, :1] + dp_ref[1, :, :1]
    dinv = lax.rsqrt(cnt + 1.0)
    agg = p_ref[0] + p_ref[1]
    h = jnp.maximum(dinv * agg + (dinv * dinv) * xw_ref[...] + b1_ref[...], 0.0)
    xw2 = jnp.dot(h, w2_ref[...], preferred_element_type=_f32)
    xw2_ref[...] = xw2
    y2_ref[...] = xw2 * dinv


def _final_body(q_ref, xw2_ref, dp_ref, b2_ref, batch_ref, wc_ref, bc_ref, o_ref):
    cnt = dp_ref[0, :, :1] + dp_ref[1, :, :1]
    dinv = lax.rsqrt(cnt + 1.0)
    agg = q_ref[0] + q_ref[1]
    h = jnp.maximum(dinv * agg + (dinv * dinv) * xw2_ref[...] + b2_ref[...], 0.0)
    gids = lax.broadcasted_iota(jnp.int32, (1, G), 1).astype(_f32)
    onehot = (batch_ref[...] == gids).astype(_f32)
    sums = lax.dot_general(onehot, h, (((0,), (0,)), ((), ())),
                           preferred_element_type=_f32)
    counts = jnp.sum(onehot, axis=0)[:, None]
    pooled = sums / jnp.maximum(counts, 1.0)
    o_ref[...] = jnp.dot(pooled, wc_ref[...], preferred_element_type=_f32) + bc_ref[...]



_MESH = plsc.VectorSubcoreMesh(core_axis_name="c", subcore_axis_name="s")


def _deg_body(dst_hbm, dp_hbm, idx_v, ones_v, deg_sh):
    cid = lax.axis_index("c")
    sid = lax.axis_index("s")
    wid = sid * 2 + cid

    def fill0(i, carry):
        ones_v[i, :] = jnp.zeros((16,), _f32)
        return carry
    lax.fori_loop(0, CH, fill0, 0)

    def zrow(k, carry):
        pltpu.sync_copy(ones_v, deg_sh.at[pl.ds(sid * RPT + k * CH, CH)])
        return carry
    lax.fori_loop(0, RPT // CH, zrow, 0)

    def fill1(i, carry):
        ones_v[i, :] = jnp.full((16,), 1.0, _f32)
        return carry
    lax.fori_loop(0, CH, fill1, 0)
    plsc.subcore_barrier()

    pltpu.sync_copy(dst_hbm.at[wid], idx_v)

    def chunk(j, carry):
        pltpu.sync_copy(ones_v, deg_sh.at[idx_v.at[j]], add=True)
        return carry
    lax.fori_loop(0, KCH, chunk, 0)
    plsc.subcore_barrier()

    def wb(k, carry):
        sl = pl.ds(sid * RPT + k * CH, CH)
        pltpu.sync_copy(deg_sh.at[sl], dp_hbm.at[cid, sl])
        return carry
    lax.fori_loop(0, RPT // CH, wb, 0)


def _agg_body(y_hbm, src_hbm, dst_hbm, out_hbm, si_v, di_v, rows_v, agg_sh):
    cid = lax.axis_index("c")
    sid = lax.axis_index("s")
    wid = sid * 2 + cid

    def zfill(i, carry):
        r = i // 8
        col = (i % 8) * 16
        rows_v[r, pl.ds(col, 16)] = jnp.zeros((16,), _f32)
        return carry
    lax.fori_loop(0, CH * 8, zfill, 0)

    def zrow(k, carry):
        pltpu.sync_copy(rows_v, agg_sh.at[pl.ds(sid * RPT + k * CH, CH)])
        return carry
    lax.fori_loop(0, RPT // CH, zrow, 0)
    plsc.subcore_barrier()

    pltpu.sync_copy(src_hbm.at[wid], si_v)
    pltpu.sync_copy(dst_hbm.at[wid], di_v)

    def chunk(j, carry):
        pltpu.sync_copy(y_hbm.at[si_v.at[j]], rows_v)
        pltpu.sync_copy(rows_v, agg_sh.at[di_v.at[j]], add=True)
        return carry
    lax.fori_loop(0, KCH, chunk, 0)
    plsc.subcore_barrier()

    def wb(k, carry):
        sl = pl.ds(sid * RPT + k * CH, CH)
        pltpu.sync_copy(agg_sh.at[sl], out_hbm.at[cid, sl])
        return carry
    lax.fori_loop(0, RPT // CH, wb, 0)


_deg_kernel = functools.partial(
    pl.kernel,
    out_type=jax.ShapeDtypeStruct((2, NP, DW), _f32),
    scratch_types=[
        pltpu.VMEM((KCH, CH), jnp.int32),
        pltpu.VMEM((CH, DW), _f32),
        pltpu.VMEM_SHARED((NP, DW), _f32),
    ],
    mesh=_MESH,
)(_deg_body)

_agg_kernel = functools.partial(
    pl.kernel,
    out_type=jax.ShapeDtypeStruct((2, NP, D), _f32),
    scratch_types=[
        pltpu.VMEM((KCH, CH), jnp.int32),
        pltpu.VMEM((KCH, CH), jnp.int32),
        pltpu.VMEM((CH, D), _f32),
        pltpu.VMEM_SHARED((NP, D), _f32),
    ],
    mesh=_MESH,
)(_agg_body)



def kernel(x, edge_index, batch, W1, b1, W2, b2, Wc, bc):
    src = edge_index[0].astype(jnp.int32)
    dst = edge_index[1].astype(jnp.int32)
    pad = jnp.full((EP - E,), N, jnp.int32)
    src_r = jnp.concatenate([src, pad]).reshape(NW, KCH, CH)
    dst_r = jnp.concatenate([dst, pad]).reshape(NW, KCH, CH)
    x_pad = jnp.concatenate([x, jnp.zeros((NP - N, D), _f32)], axis=0)
    batchf = jnp.concatenate(
        [batch.astype(_f32), jnp.full((NP - N,), float(G), _f32)])[:, None]
    b1r = b1.reshape(1, D)
    b2r = b2.reshape(1, D)
    bcr = bc.reshape(1, OUT)

    xw1 = pl.pallas_call(
        _mm_body,
        out_shape=jax.ShapeDtypeStruct((NP, D), _f32),
    )(x_pad, W1)

    dp = _deg_kernel(dst_r)

    y1 = pl.pallas_call(
        _scale_body,
        out_shape=jax.ShapeDtypeStruct((NP, D), _f32),
    )(xw1, dp)

    p = _agg_kernel(y1, src_r, dst_r)

    xw2, y2 = pl.pallas_call(
        _mid_body,
        out_shape=(jax.ShapeDtypeStruct((NP, D), _f32),
                   jax.ShapeDtypeStruct((NP, D), _f32)),
    )(p, xw1, dp, W2, b1r)

    q = _agg_kernel(y2, src_r, dst_r)

    out = pl.pallas_call(
        _final_body,
        out_shape=jax.ShapeDtypeStruct((G, OUT), _f32),
    )(q, xw2, dp, b2r, batchf, Wc, bcr)
    return out

# --- scband reference (transcript-rebuilt; emitter-appended) ---
"""Pipeline reference for scband-gnn-11940009083561 (READ-ONLY COPY).

The authoritative reference and input builder live on the scoring server;
editing this copy changes nothing except your own understanding.
"""

import jax, jax.numpy as jnp
import numpy as np

N_NODES = 10000
N_EDGES = 320000
D_IN = 128
D_HID = 128
D_OUT = 10
N_GRAPHS = 64


def setup_inputs(seed: int = 0) -> dict:
    key = jax.random.key(seed)
    ks = jax.random.split(key, 10)
    x = jax.random.normal(ks[0], (N_NODES, D_IN), dtype=jnp.float32)
    edge_index = jax.random.randint(ks[1], (2, N_EDGES), 0, N_NODES, dtype=jnp.int64 if jax.config.read('jax_enable_x64') else jnp.int32).astype(jnp.int32)
    batch = jnp.sort(jax.random.randint(ks[2], (N_NODES,), 0, N_GRAPHS)).astype(jnp.int32)
    s1 = 1.0 / np.sqrt(D_IN)
    s2 = 1.0 / np.sqrt(D_HID)
    W1 = jax.random.uniform(ks[3], (D_IN, D_HID), jnp.float32, -s1, s1)
    b1 = jnp.zeros((D_HID,), jnp.float32)
    W2 = jax.random.uniform(ks[4], (D_HID, D_HID), jnp.float32, -s2, s2)
    b2 = jnp.zeros((D_HID,), jnp.float32)
    Wc = jax.random.uniform(ks[5], (D_HID, D_OUT), jnp.float32, -s2, s2)
    bc = jax.random.uniform(ks[6], (D_OUT,), jnp.float32, -s2, s2)
    return {"x": x, "edge_index": edge_index, "batch": batch,
            "W1": W1, "b1": b1, "W2": W2, "b2": b2, "Wc": Wc, "bc": bc}


def _gcn_conv(x, src, dst, W, b, num_nodes):
    # x @ W, then symmetric-normalized scatter-add aggregation (GCNConv w/ self-loops)
    loop = jnp.arange(num_nodes, dtype=src.dtype)
    s = jnp.concatenate([src, loop])
    d = jnp.concatenate([dst, loop])
    deg = jnp.zeros((num_nodes,), jnp.float32).at[d].add(1.0)
    dinv = jnp.where(deg > 0, deg ** -0.5, 0.0)
    norm = dinv[s] * dinv[d]
    xw = x @ W
    msg = xw[s] * norm[:, None]
    out = jnp.zeros((num_nodes, W.shape[1]), jnp.float32).at[d].add(msg)
    return out + b


def reference(x, edge_index, batch, W1, b1, W2, b2, Wc, bc):
    src, dst = edge_index[0], edge_index[1]
    h = _gcn_conv(x, src, dst, W1, b1, N_NODES)
    h = jax.nn.relu(h)
    h = _gcn_conv(h, src, dst, W2, b2, N_NODES)
    h = jax.nn.relu(h)
    # global_mean_pool over batch segment ids
    sums = jax.ops.segment_sum(h, batch, num_segments=N_GRAPHS)
    counts = jax.ops.segment_sum(jnp.ones((N_NODES,), jnp.float32), batch, num_segments=N_GRAPHS)
    pooled = sums / jnp.maximum(counts, 1.0)[:, None]
    return pooled @ Wc + bc

if __name__ == "__main__":
    import jax
    _d = setup_inputs()
    print(jax.jit(kernel)(*tuple(_d.values())))

</pallas_src>

<mosaic_0001>
#map = affine_map<(d0, d1) -> (0, 0)>
#map1 = affine_map<(d0, d1) -> (0, 0, 0)>
module attributes {stable_mosaic.version = 14 : i64} {
  func.func @_agg_body(%arg0: i32, %arg1: i32, %arg2: memref<10240x128xf32, #tpu.memory_space<hbm>>, %arg3: memref<32x79x128xi32, #tpu.memory_space<hbm>>, %arg4: memref<32x79x128xi32, #tpu.memory_space<hbm>>, %arg5: memref<2x10240x128xf32, #tpu.memory_space<hbm>>, %arg6: memref<79x128xi32, #tpu.memory_space<vmem>>, %arg7: memref<79x128xi32, #tpu.memory_space<vmem>>, %arg8: memref<128x128xf32, #tpu.memory_space<vmem>>, %arg9: memref<10240x128xf32, #tpu.memory_space<vmem_shared>>) attributes {dimension_semantics = [#tpu.dimension_semantics<core_parallel>, #tpu.dimension_semantics<subcore_parallel>], iteration_bounds = array<i64: 2, 16>, scalar_prefetch = 0 : i64, scratch_operands = 4 : i64, tpu.core_type = #tpu.core_type<sc_vector_subcore>, window_params = [{transform_indices = #map}, {transform_indices = #map1}, {transform_indices = #map1}, {transform_indices = #map1}]} {
    %mul3A = arith.constant 2 : i32
    %mul3A_0 = arith.muli %arg1, %mul3A : i32
    %add3A = arith.addi %mul3A_0, %arg0 : i32
    %scan3A = arith.constant 0 : i32
    %scan3A_1 = arith.constant 0 : i32
    %scan3A_2 = arith.constant 1024 : i32
    %scan3A_3 = arith.addi %scan3A_1, %scan3A_2 : i32
    %scan3A_4 = arith.constant 1 : i32
    scf.for %scan3A_25 = %scan3A_1 to %scan3A_3 step %scan3A_4  : i32 {
      %jit3A = arith.constant 8 : i32
      %div3A = arith.divsi %scan3A_25, %jit3A : i32
      %sign3A = arith.constant 0 : i32
      %sign3A_26 = arith.cmpi sgt, %scan3A_25, %sign3A : i32
      %sign3A_27 = arith.extui %sign3A_26 : i1 to i32
      %sign3A_28 = arith.constant 0 : i32
      %sign3A_29 = arith.cmpi slt, %scan3A_25, %sign3A_28 : i32
      %sign3A_30 = arith.extui %sign3A_29 : i1 to i32
      %sign3A_31 = arith.subi %sign3A_27, %sign3A_30 : i32
      %sign3A_32 = arith.constant 0 : i32
      %sign3A_33 = arith.cmpi sgt, %jit3A, %sign3A_32 : i32
      %sign3A_34 = arith.extui %sign3A_33 : i1 to i32
      %sign3A_35 = arith.constant 0 : i32
      %sign3A_36 = arith.cmpi slt, %jit3A, %sign3A_35 : i32
      %sign3A_37 = arith.extui %sign3A_36 : i1 to i32
      %sign3A_38 = arith.subi %sign3A_34, %sign3A_37 : i32
      %ne3A = arith.cmpi ne, %sign3A_31, %sign3A_38 : i32
      %rem3A = arith.remsi %scan3A_25, %jit3A : i32
      %ne3A_39 = arith.constant 0 : i32
      %ne3A_40 = arith.cmpi ne, %rem3A, %ne3A_39 : i32
      %and3A = arith.andi %ne3A, %ne3A_40 : i1
      %sub3A = arith.constant 1 : i32
      %sub3A_41 = arith.subi %div3A, %sub3A : i32
      %select_n3A = arith.select %and3A, %sub3A_41, %div3A : i32
      %jit3A_42 = arith.constant 8 : i32
      %eq3A = arith.constant 0 : i32
      %eq3A_43 = arith.cmpi eq, %jit3A_42, %eq3A : i32
      %jit3A_44 = arith.constant 1 : i32
      %select_n3A_45 = arith.select %eq3A_43, %jit3A_44, %jit3A_42 : i32
      %rem3A_46 = arith.remsi %scan3A_25, %select_n3A_45 : i32
      %ne3A_47 = arith.constant 0 : i32
      %ne3A_48 = arith.cmpi ne, %rem3A_46, %ne3A_47 : i32
      %lt3A = arith.constant 0 : i32
      %lt3A_49 = arith.cmpi slt, %rem3A_46, %lt3A : i32
      %lt3A_50 = arith.constant 0 : i32
      %lt3A_51 = arith.cmpi slt, %select_n3A_45, %lt3A_50 : i32
      %ne3A_52 = arith.xori %lt3A_49, %lt3A_51 : i1
      %and3A_53 = arith.andi %ne3A_52, %ne3A_48 : i1
      %add3A_54 = arith.addi %rem3A_46, %select_n3A_45 : i32
      %select_n3A_55 = arith.select %and3A_53, %add3A_54, %rem3A_46 : i32
      %mul3A_56 = arith.constant 16 : i32
      %mul3A_57 = arith.muli %select_n3A_55, %mul3A_56 : i32
      %broadcast_in_dim3A = arith.constant 0.000000e+00 : f32
      %broadcast_in_dim3A_58 = vector.broadcast %broadcast_in_dim3A : f32 to vector<16xf32>
      %swap3A = arith.index_cast %select_n3A : i32 to index
      %swap3A_59 = arith.index_cast %mul3A_57 : i32 to index
      %swap3A_60 = tpu.vector_load %arg8[%swap3A, %swap3A_59] {strides = array<i32>} : memref<128x128xf32, #tpu.memory_space<vmem>>, vector<1x16xf32>,
      %swap3A_61 = vector.shape_cast %swap3A_60 : vector<1x16xf32> to vector<16xf32>
      %swap3A_62 = vector.shape_cast %broadcast_in_dim3A_58 : vector<16xf32> to vector<1x16xf32>
      tpu.vector_store %arg8[%swap3A, %swap3A_59], %swap3A_62 {strides = array<i32>} : memref<128x128xf32, #tpu.memory_space<vmem>>, vector<1x16xf32>,
    }
    %scan3A_5 = arith.constant 1024 : i32
    %scan3A_6 = arith.constant 0 : i32
    %scan3A_7 = arith.constant 0 : i32
    %scan3A_8 = arith.constant 5 : i32
    %scan3A_9 = arith.addi %scan3A_7, %scan3A_8 : i32
    %scan3A_10 = arith.constant 1 : i32
    scf.for %scan3A_25 = %scan3A_7 to %scan3A_9 step %scan3A_10  : i32 {
      %mul3A_26 = arith.constant 640 : i32
      %mul3A_27 = arith.muli %arg1, %mul3A_26 : i32
      %mul3A_28 = arith.constant 128 : i32
      %mul3A_29 = arith.muli %scan3A_25, %mul3A_28 : i32
      %add3A_30 = arith.addi %mul3A_27, %mul3A_29 : i32
      "tpu.region"() ({
        %run_scoped3A = tpu.sem_alloc : memref<!tpu.dma_semaphore, #tpu.memory_space<semaphore_mem>>
        %dma_start3A = arith.constant 0 : i32
        %dma_start3A_31 = tpu.memref_slice %arg9[%add3A_30, %dma_start3A] : memref<10240x128xf32, #tpu.memory_space<vmem_shared>> -> memref<128x128xf32, #tpu.memory_space<vmem_shared>>
        %dma_start3A_32 = arith.constant 0 : i32
        %dma_start3A_33 = tpu.memref_slice %arg9[%add3A_30, %dma_start3A_32] : memref<10240x128xf32, #tpu.memory_space<vmem_shared>> -> memref<128x128xf32, #tpu.memory_space<vmem_shared>>
        tpu.enqueue_dma source(%arg8 : memref<128x128xf32, #tpu.memory_space<vmem>>) target(%dma_start3A_33 : memref<128x128xf32, #tpu.memory_space<vmem_shared>>) target_semaphore(%run_scoped3A : memref<!tpu.dma_semaphore, #tpu.memory_space<semaphore_mem>>)
        %dma_wait3A = arith.constant 0 : i32
        %dma_wait3A_34 = tpu.memref_slice %arg9[%add3A_30, %dma_wait3A] : memref<10240x128xf32, #tpu.memory_space<vmem_shared>> -> memref<128x128xf32, #tpu.memory_space<vmem_shared>>
        %dma_wait3A_35 = arith.constant 0 : i32
        %dma_wait3A_36 = tpu.memref_slice %arg9[%add3A_30, %dma_wait3A_35] : memref<10240x128xf32, #tpu.memory_space<vmem_shared>> -> memref<128x128xf32, #tpu.memory_space<vmem_shared>>
        tpu.wait_dma2 semaphore(%run_scoped3A : memref<!tpu.dma_semaphore, #tpu.memory_space<semaphore_mem>>) src(%arg8 : memref<128x128xf32, #tpu.memory_space<vmem>>) dst(%dma_wait3A_36 : memref<128x128xf32, #tpu.memory_space<vmem_shared>>)
        tpu.yield
      }) : () -> ()
    }
    %scan3A_11 = arith.constant 5 : i32
    %barrier3A = arith.constant 0 : index
    tpu.barrier barrier_id(%barrier3A)
    "tpu.region"() ({
      %run_scoped3A = tpu.sem_alloc : memref<!tpu.dma_semaphore, #tpu.memory_space<semaphore_mem>>
      %dma_start3A = arith.constant 0 : i32
      %dma_start3A_25 = arith.constant 0 : i32
      %dma_start3A_26 = tpu.memref_slice %arg3[%add3A, %dma_start3A, %dma_start3A_25] : memref<32x79x128xi32, #tpu.memory_space<hbm>> -> memref<1x79x128xi32, #tpu.memory_space<hbm>>
      %dma_start3A_27 = tpu.memref_squeeze %dma_start3A_26 : memref<1x79x128xi32, #tpu.memory_space<hbm>> -> memref<79x128xi32, #tpu.memory_space<hbm>>
      %dma_start3A_28 = arith.constant 0 : i32
      %dma_start3A_29 = arith.constant 0 : i32
      %dma_start3A_30 = tpu.memref_slice %arg3[%add3A, %dma_start3A_28, %dma_start3A_29] : memref<32x79x128xi32, #tpu.memory_space<hbm>> -> memref<1x79x128xi32, #tpu.memory_space<hbm>>
      %dma_start3A_31 = tpu.memref_squeeze %dma_start3A_30 : memref<1x79x128xi32, #tpu.memory_space<hbm>> -> memref<79x128xi32, #tpu.memory_space<hbm>>
      tpu.enqueue_dma source(%dma_start3A_31 : memref<79x128xi32, #tpu.memory_space<hbm>>) target(%arg6 : memref<79x128xi32, #tpu.memory_space<vmem>>) target_semaphore(%run_scoped3A : memref<!tpu.dma_semaphore, #tpu.memory_space<semaphore_mem>>)
      %dma_wait3A = arith.constant 0 : i32
      %dma_wait3A_32 = arith.constant 0 : i32
      %dma_wait3A_33 = tpu.memref_slice %arg3[%add3A, %dma_wait3A, %dma_wait3A_32] : memref<32x79x128xi32, #tpu.memory_space<hbm>> -> memref<1x79x128xi32, #tpu.memory_space<hbm>>
      %dma_wait3A_34 = tpu.memref_squeeze %dma_wait3A_33 : memref<1x79x128xi32, #tpu.memory_space<hbm>> -> memref<79x128xi32, #tpu.memory_space<hbm>>
      %dma_wait3A_35 = arith.constant 0 : i32
      %dma_wait3A_36 = arith.constant 0 : i32
      %dma_wait3A_37 = tpu.memref_slice %arg3[%add3A, %dma_wait3A_35, %dma_wait3A_36] : memref<32x79x128xi32, #tpu.memory_space<hbm>> -> memref<1x79x128xi32, #tpu.memory_space<hbm>>
      %dma_wait3A_38 = tpu.memref_squeeze %dma_wait3A_37 : memref<1x79x128xi32, #tpu.memory_space<hbm>> -> memref<79x128xi32, #tpu.memory_space<hbm>>
      tpu.wait_dma2 semaphore(%run_scoped3A : memref<!tpu.dma_semaphore, #tpu.memory_space<semaphore_mem>>) src(%dma_wait3A_38 : memref<79x128xi32, #tpu.memory_space<hbm>>) dst(%arg6 : memref<79x128xi32, #tpu.memory_space<vmem>>)
      tpu.yield
    }) : () -> ()
    "tpu.region"() ({
      %run_scoped3A = tpu.sem_alloc : memref<!tpu.dma_semaphore, #tpu.memory_space<semaphore_mem>>
      %dma_start3A = arith.constant 0 : i32
      %dma_start3A_25 = arith.constant 0 : i32
      %dma_start3A_26 = tpu.memref_slice %arg4[%add3A, %dma_start3A, %dma_start3A_25] : memref<32x79x128xi32, #tpu.memory_space<hbm>> -> memref<1x79x128xi32, #tpu.memory_space<hbm>>
      %dma_start3A_27 = tpu.memref_squeeze %dma_start3A_26 : memref<1x79x128xi32, #tpu.memory_space<hbm>> -> memref<79x128xi32, #tpu.memory_space<hbm>>
      %dma_start3A_28 = arith.constant 0 : i32
      %dma_start3A_29 = arith.constant 0 : i32
      %dma_start3A_30 = tpu.memref_slice %arg4[%add3A, %dma_start3A_28, %dma_start3A_29] : memref<32x79x128xi32, #tpu.memory_space<hbm>> -> memref<1x79x128xi32, #tpu.memory_space<hbm>>
      %dma_start3A_31 = tpu.memref_squeeze %dma_start3A_30 : memref<1x79x128xi32, #tpu.memory_space<hbm>> -> memref<79x128xi32, #tpu.memory_space<hbm>>
      tpu.enqueue_dma source(%dma_start3A_31 : memref<79x128xi32, #tpu.memory_space<hbm>>) target(%arg7 : memref<79x128xi32, #tpu.memory_space<vmem>>) target_semaphore(%run_scoped3A : memref<!tpu.dma_semaphore, #tpu.memory_space<semaphore_mem>>)
      %dma_wait3A = arith.constant 0 : i32
      %dma_wait3A_32 = arith.constant 0 : i32
      %dma_wait3A_33 = tpu.memref_slice %arg4[%add3A, %dma_wait3A, %dma_wait3A_32] : memref<32x79x128xi32, #tpu.memory_space<hbm>> -> memref<1x79x128xi32, #tpu.memory_space<hbm>>
      %dma_wait3A_34 = tpu.memref_squeeze %dma_wait3A_33 : memref<1x79x128xi32, #tpu.memory_space<hbm>> -> memref<79x128xi32, #tpu.memory_space<hbm>>
      %dma_wait3A_35 = arith.constant 0 : i32
      %dma_wait3A_36 = arith.constant 0 : i32
      %dma_wait3A_37 = tpu.memref_slice %arg4[%add3A, %dma_wait3A_35, %dma_wait3A_36] : memref<32x79x128xi32, #tpu.memory_space<hbm>> -> memref<1x79x128xi32, #tpu.memory_space<hbm>>
      %dma_wait3A_38 = tpu.memref_squeeze %dma_wait3A_37 : memref<1x79x128xi32, #tpu.memory_space<hbm>> -> memref<79x128xi32, #tpu.memory_space<hbm>>
      tpu.wait_dma2 semaphore(%run_scoped3A : memref<!tpu.dma_semaphore, #tpu.memory_space<semaphore_mem>>) src(%dma_wait3A_38 : memref<79x128xi32, #tpu.memory_space<hbm>>) dst(%arg7 : memref<79x128xi32, #tpu.memory_space<vmem>>)
      tpu.yield
    }) : () -> ()
    %scan3A_12 = arith.constant 0 : i32
    %scan3A_13 = arith.constant 0 : i32
    %scan3A_14 = arith.constant 79 : i32
    %scan3A_15 = arith.addi %scan3A_13, %scan3A_14 : i32
    %scan3A_16 = arith.constant 1 : i32
    scf.for %scan3A_25 = %scan3A_13 to %scan3A_15 step %scan3A_16  : i32 {
      "tpu.region"() ({
        %run_scoped3A = tpu.sem_alloc : memref<!tpu.dma_semaphore, #tpu.memory_space<semaphore_mem>>
        %dma_start3A = arith.constant 0 : i32
        %dma_start3A_26 = tpu.memref_slice %arg6[%scan3A_25, %dma_start3A] : memref<79x128xi32, #tpu.memory_space<vmem>> -> memref<1x128xi32, #tpu.memory_space<vmem>>
        %dma_start3A_27 = tpu.memref_squeeze %dma_start3A_26 : memref<1x128xi32, #tpu.memory_space<vmem>> -> memref<128xi32, #tpu.memory_space<vmem>>
        %dma_start3A_28 = arith.constant 0 : i32
        %dma_start3A_29 = arith.constant 0 : i32
        %dma_start3A_30 = tpu.memref_slice %arg2[%dma_start3A_28, %dma_start3A_29] : memref<10240x128xf32, #tpu.memory_space<hbm>> -> memref<10240x128xf32, #tpu.memory_space<hbm>>
        tpu.enqueue_indirect_dma source(%dma_start3A_30 : memref<10240x128xf32, #tpu.memory_space<hbm>>) target(%arg8 : memref<128x128xf32, #tpu.memory_space<vmem>>) offsets(%dma_start3A_27 : memref<128xi32, #tpu.memory_space<vmem>>) semaphore(%run_scoped3A : memref<!tpu.dma_semaphore, #tpu.memory_space<semaphore_mem>>)
        %dma_wait3A = arith.constant 0 : i32
        %dma_wait3A_31 = tpu.memref_slice %arg6[%scan3A_25, %dma_wait3A] : memref<79x128xi32, #tpu.memory_space<vmem>> -> memref<1x128xi32, #tpu.memory_space<vmem>>
        %dma_wait3A_32 = tpu.memref_squeeze %dma_wait3A_31 : memref<1x128xi32, #tpu.memory_space<vmem>> -> memref<128xi32, #tpu.memory_space<vmem>>
        %dma_wait3A_33 = arith.constant 0 : i32
        %dma_wait3A_34 = arith.constant 0 : i32
        %dma_wait3A_35 = tpu.memref_slice %arg2[%dma_wait3A_33, %dma_wait3A_34] : memref<10240x128xf32, #tpu.memory_space<hbm>> -> memref<10240x128xf32, #tpu.memory_space<hbm>>
        tpu.wait_indirect_dma semaphore(%run_scoped3A : memref<!tpu.dma_semaphore, #tpu.memory_space<semaphore_mem>>) src(%dma_wait3A_35 : memref<10240x128xf32, #tpu.memory_space<hbm>>) dst(%arg8 : memref<128x128xf32, #tpu.memory_space<vmem>>)
        tpu.yield
      }) : () -> ()
      "tpu.region"() ({
        %run_scoped3A = tpu.sem_alloc : memref<!tpu.dma_semaphore, #tpu.memory_space<semaphore_mem>>
        %dma_start3A = arith.constant 0 : i32
        %dma_start3A_26 = tpu.memref_slice %arg7[%scan3A_25, %dma_start3A] : memref<79x128xi32, #tpu.memory_space<vmem>> -> memref<1x128xi32, #tpu.memory_space<vmem>>
        %dma_start3A_27 = tpu.memref_squeeze %dma_start3A_26 : memref<1x128xi32, #tpu.memory_space<vmem>> -> memref<128xi32, #tpu.memory_space<vmem>>
        %dma_start3A_28 = arith.constant 0 : i32
        %dma_start3A_29 = arith.constant 0 : i32
        %dma_start3A_30 = tpu.memref_slice %arg9[%dma_start3A_28, %dma_start3A_29] : memref<10240x128xf32, #tpu.memory_space<vmem_shared>> -> memref<10240x128xf32, #tpu.memory_space<vmem_shared>>
        tpu.enqueue_indirect_dma source(%arg8 : memref<128x128xf32, #tpu.memory_space<vmem>>) target(%dma_start3A_30 : memref<10240x128xf32, #tpu.memory_space<vmem_shared>>) offsets(%dma_start3A_27 : memref<128xi32, #tpu.memory_space<vmem>>) semaphore(%run_scoped3A : memref<!tpu.dma_semaphore, #tpu.memory_space<semaphore_mem>>) {add = true}
        %dma_wait3A = arith.constant 0 : i32
        %dma_wait3A_31 = tpu.memref_slice %arg7[%scan3A_25, %dma_wait3A] : memref<79x128xi32, #tpu.memory_space<vmem>> -> memref<1x128xi32, #tpu.memory_space<vmem>>
        %dma_wait3A_32 = tpu.memref_squeeze %dma_wait3A_31 : memref<1x128xi32, #tpu.memory_space<vmem>> -> memref<128xi32, #tpu.memory_space<vmem>>
        %dma_wait3A_33 = arith.constant 0 : i32
        %dma_wait3A_34 = arith.constant 0 : i32
        %dma_wait3A_35 = tpu.memref_slice %arg9[%dma_wait3A_33, %dma_wait3A_34] : memref<10240x128xf32, #tpu.memory_space<vmem_shared>> -> memref<10240x128xf32, #tpu.memory_space<vmem_shared>>
        tpu.wait_indirect_dma semaphore(%run_scoped3A : memref<!tpu.dma_semaphore, #tpu.memory_space<semaphore_mem>>) src(%arg8 : memref<128x128xf32, #tpu.memory_space<vmem>>) dst(%dma_wait3A_35 : memref<10240x128xf32, #tpu.memory_space<vmem_shared>>)
        tpu.yield
      }) : () -> ()
    }
    %scan3A_17 = arith.constant 79 : i32
    %barrier3A_18 = arith.constant 0 : index
    tpu.barrier barrier_id(%barrier3A_18)
    %scan3A_19 = arith.constant 0 : i32
    %scan3A_20 = arith.constant 0 : i32
    %scan3A_21 = arith.constant 5 : i32
    %scan3A_22 = arith.addi %scan3A_20, %scan3A_21 : i32
    %scan3A_23 = arith.constant 1 : i32
    scf.for %scan3A_25 = %scan3A_20 to %scan3A_22 step %scan3A_23  : i32 {
      %mul3A_26 = arith.constant 640 : i32
      %mul3A_27 = arith.muli %arg1, %mul3A_26 : i32
      %mul3A_28 = arith.constant 128 : i32
      %mul3A_29 = arith.muli %scan3A_25, %mul3A_28 : i32
      %add3A_30 = arith.addi %mul3A_27, %mul3A_29 : i32
      "tpu.region"() ({
        %run_scoped3A = tpu.sem_alloc : memref<!tpu.dma_semaphore, #tpu.memory_space<semaphore_mem>>
        %dma_start3A = arith.constant 0 : i32
        %dma_start3A_31 = tpu.memref_slice %arg5[%arg0, %add3A_30, %dma_start3A] : memref<2x10240x128xf32, #tpu.memory_space<hbm>> -> memref<1x128x128xf32, #tpu.memory_space<hbm>>
        %dma_start3A_32 = tpu.memref_squeeze %dma_start3A_31 : memref<1x128x128xf32, #tpu.memory_space<hbm>> -> memref<128x128xf32, #tpu.memory_space<hbm>>
        %dma_start3A_33 = arith.constant 0 : i32
        %dma_start3A_34 = tpu.memref_slice %arg9[%add3A_30, %dma_start3A_33] : memref<10240x128xf32, #tpu.memory_space<vmem_shared>> -> memref<128x128xf32, #tpu.memory_space<vmem_shared>>
        tpu.enqueue_dma source(%dma_start3A_34 : memref<128x128xf32, #tpu.memory_space<vmem_shared>>) target(%dma_start3A_32 : memref<128x128xf32, #tpu.memory_space<hbm>>) target_semaphore(%run_scoped3A : memref<!tpu.dma_semaphore, #tpu.memory_space<semaphore_mem>>)
        %dma_wait3A = arith.constant 0 : i32
        %dma_wait3A_35 = tpu.memref_slice %arg5[%arg0, %add3A_30, %dma_wait3A] : memref<2x10240x128xf32, #tpu.memory_space<hbm>> -> memref<1x128x128xf32, #tpu.memory_space<hbm>>
        %dma_wait3A_36 = tpu.memref_squeeze %dma_wait3A_35 : memref<1x128x128xf32, #tpu.memory_space<hbm>> -> memref<128x128xf32, #tpu.memory_space<hbm>>
        %dma_wait3A_37 = arith.constant 0 : i32
        %dma_wait3A_38 = tpu.memref_slice %arg9[%add3A_30, %dma_wait3A_37] : memref<10240x128xf32, #tpu.memory_space<vmem_shared>> -> memref<128x128xf32, #tpu.memory_space<vmem_shared>>
        tpu.wait_dma2 semaphore(%run_scoped3A : memref<!tpu.dma_semaphore, #tpu.memory_space<semaphore_mem>>) src(%dma_wait3A_38 : memref<128x128xf32, #tpu.memory_space<vmem_shared>>) dst(%dma_wait3A_36 : memref<128x128xf32, #tpu.memory_space<hbm>>)
        tpu.yield
      }) : () -> ()
    }
    %scan3A_24 = arith.constant 5 : i32
    return
  }
}

#map = affine_map<(d0, d1) -> (0, 0, 0)>
module attributes {stable_mosaic.version = 14 : i64} {
  func.func @_deg_body(%arg0: i32, %arg1: i32, %arg2: memref<32x79x128xi32, #tpu.memory_space<hbm>>, %arg3: memref<2x10240x16xf32, #tpu.memory_space<hbm>>, %arg4: memref<79x128xi32, #tpu.memory_space<vmem>>, %arg5: memref<128x16xf32, #tpu.memory_space<vmem>>, %arg6: memref<10240x16xf32, #tpu.memory_space<vmem_shared>>) attributes {dimension_semantics = [#tpu.dimension_semantics<core_parallel>, #tpu.dimension_semantics<subcore_parallel>], iteration_bounds = array<i64: 2, 16>, scalar_prefetch = 0 : i64, scratch_operands = 3 : i64, tpu.core_type = #tpu.core_type<sc_vector_subcore>, window_params = [{transform_indices = #map}, {transform_indices = #map}]} {
    %mul3A = arith.constant 2 : i32
    %mul3A_0 = arith.muli %arg1, %mul3A : i32
    %add3A = arith.addi %mul3A_0, %arg0 : i32
    %scan3A = arith.constant 0 : i32
    %scan3A_1 = arith.constant 0 : i32
    %scan3A_2 = arith.constant 128 : i32
    %scan3A_3 = arith.addi %scan3A_1, %scan3A_2 : i32
    %scan3A_4 = arith.constant 1 : i32
    scf.for %scan3A_31 = %scan3A_1 to %scan3A_3 step %scan3A_4  : i32 {
      %broadcast_in_dim3A = arith.constant 0.000000e+00 : f32
      %broadcast_in_dim3A_32 = vector.broadcast %broadcast_in_dim3A : f32 to vector<16xf32>
      %swap3A = arith.index_cast %scan3A_31 : i32 to index
      %swap3A_33 = arith.constant 0 : index
      %swap3A_34 = tpu.vector_load %arg5[%swap3A, %swap3A_33] {strides = array<i32>} : memref<128x16xf32, #tpu.memory_space<vmem>>, vector<1x16xf32>,
      %swap3A_35 = vector.shape_cast %swap3A_34 : vector<1x16xf32> to vector<16xf32>
      %swap3A_36 = vector.shape_cast %broadcast_in_dim3A_32 : vector<16xf32> to vector<1x16xf32>
      tpu.vector_store %arg5[%swap3A, %swap3A_33], %swap3A_36 {strides = array<i32>} : memref<128x16xf32, #tpu.memory_space<vmem>>, vector<1x16xf32>,
    }
    %scan3A_5 = arith.constant 128 : i32
    %scan3A_6 = arith.constant 0 : i32
    %scan3A_7 = arith.constant 0 : i32
    %scan3A_8 = arith.constant 5 : i32
    %scan3A_9 = arith.addi %scan3A_7, %scan3A_8 : i32
    %scan3A_10 = arith.constant 1 : i32
    scf.for %scan3A_31 = %scan3A_7 to %scan3A_9 step %scan3A_10  : i32 {
      %mul3A_32 = arith.constant 640 : i32
      %mul3A_33 = arith.muli %arg1, %mul3A_32 : i32
      %mul3A_34 = arith.constant 128 : i32
      %mul3A_35 = arith.muli %scan3A_31, %mul3A_34 : i32
      %add3A_36 = arith.addi %mul3A_33, %mul3A_35 : i32
      "tpu.region"() ({
        %run_scoped3A = tpu.sem_alloc : memref<!tpu.dma_semaphore, #tpu.memory_space<semaphore_mem>>
        %dma_start3A = arith.constant 0 : i32
        %dma_start3A_37 = tpu.memref_slice %arg6[%add3A_36, %dma_start3A] : memref<10240x16xf32, #tpu.memory_space<vmem_shared>> -> memref<128x16xf32, #tpu.memory_space<vmem_shared>>
        %dma_start3A_38 = arith.constant 0 : i32
        %dma_start3A_39 = tpu.memref_slice %arg6[%add3A_36, %dma_start3A_38] : memref<10240x16xf32, #tpu.memory_space<vmem_shared>> -> memref<128x16xf32, #tpu.memory_space<vmem_shared>>
        tpu.enqueue_dma source(%arg5 : memref<128x16xf32, #tpu.memory_space<vmem>>) target(%dma_start3A_39 : memref<128x16xf32, #tpu.memory_space<vmem_shared>>) target_semaphore(%run_scoped3A : memref<!tpu.dma_semaphore, #tpu.memory_space<semaphore_mem>>)
        %dma_wait3A = arith.constant 0 : i32
        %dma_wait3A_40 = tpu.memref_slice %arg6[%add3A_36, %dma_wait3A] : memref<10240x16xf32, #tpu.memory_space<vmem_shared>> -> memref<128x16xf32, #tpu.memory_space<vmem_shared>>
        %dma_wait3A_41 = arith.constant 0 : i32
        %dma_wait3A_42 = tpu.memref_slice %arg6[%add3A_36, %dma_wait3A_41] : memref<10240x16xf32, #tpu.memory_space<vmem_shared>> -> memref<128x16xf32, #tpu.memory_space<vmem_shared>>
        tpu.wait_dma2 semaphore(%run_scoped3A : memref<!tpu.dma_semaphore, #tpu.memory_space<semaphore_mem>>) src(%arg5 : memref<128x16xf32, #tpu.memory_space<vmem>>) dst(%dma_wait3A_42 : memref<128x16xf32, #tpu.memory_space<vmem_shared>>)
        tpu.yield
      }) : () -> ()
    }
    %scan3A_11 = arith.constant 5 : i32
    %scan3A_12 = arith.constant 0 : i32
    %scan3A_13 = arith.constant 0 : i32
    %scan3A_14 = arith.constant 128 : i32
    %scan3A_15 = arith.addi %scan3A_13, %scan3A_14 : i32
    %scan3A_16 = arith.constant 1 : i32
    scf.for %scan3A_31 = %scan3A_13 to %scan3A_15 step %scan3A_16  : i32 {
      %broadcast_in_dim3A = arith.constant 1.000000e+00 : f32
      %broadcast_in_dim3A_32 = vector.broadcast %broadcast_in_dim3A : f32 to vector<16xf32>
      %swap3A = arith.index_cast %scan3A_31 : i32 to index
      %swap3A_33 = arith.constant 0 : index
      %swap3A_34 = tpu.vector_load %arg5[%swap3A, %swap3A_33] {strides = array<i32>} : memref<128x16xf32, #tpu.memory_space<vmem>>, vector<1x16xf32>,
      %swap3A_35 = vector.shape_cast %swap3A_34 : vector<1x16xf32> to vector<16xf32>
      %swap3A_36 = vector.shape_cast %broadcast_in_dim3A_32 : vector<16xf32> to vector<1x16xf32>
      tpu.vector_store %arg5[%swap3A, %swap3A_33], %swap3A_36 {strides = array<i32>} : memref<128x16xf32, #tpu.memory_space<vmem>>, vector<1x16xf32>,
    }
    %scan3A_17 = arith.constant 128 : i32
    %barrier3A = arith.constant 0 : index
    tpu.barrier barrier_id(%barrier3A)
    "tpu.region"() ({
      %run_scoped3A = tpu.sem_alloc : memref<!tpu.dma_semaphore, #tpu.memory_space<semaphore_mem>>
      %dma_start3A = arith.constant 0 : i32
      %dma_start3A_31 = arith.constant 0 : i32
      %dma_start3A_32 = tpu.memref_slice %arg2[%add3A, %dma_start3A, %dma_start3A_31] : memref<32x79x128xi32, #tpu.memory_space<hbm>> -> memref<1x79x128xi32, #tpu.memory_space<hbm>>
      %dma_start3A_33 = tpu.memref_squeeze %dma_start3A_32 : memref<1x79x128xi32, #tpu.memory_space<hbm>> -> memref<79x128xi32, #tpu.memory_space<hbm>>
      %dma_start3A_34 = arith.constant 0 : i32
      %dma_start3A_35 = arith.constant 0 : i32
      %dma_start3A_36 = tpu.memref_slice %arg2[%add3A, %dma_start3A_34, %dma_start3A_35] : memref<32x79x128xi32, #tpu.memory_space<hbm>> -> memref<1x79x128xi32, #tpu.memory_space<hbm>>
      %dma_start3A_37 = tpu.memref_squeeze %dma_start3A_36 : memref<1x79x128xi32, #tpu.memory_space<hbm>> -> memref<79x128xi32, #tpu.memory_space<hbm>>
      tpu.enqueue_dma source(%dma_start3A_37 : memref<79x128xi32, #tpu.memory_space<hbm>>) target(%arg4 : memref<79x128xi32, #tpu.memory_space<vmem>>) target_semaphore(%run_scoped3A : memref<!tpu.dma_semaphore, #tpu.memory_space<semaphore_mem>>)
      %dma_wait3A = arith.constant 0 : i32
      %dma_wait3A_38 = arith.constant 0 : i32
      %dma_wait3A_39 = tpu.memref_slice %arg2[%add3A, %dma_wait3A, %dma_wait3A_38] : memref<32x79x128xi32, #tpu.memory_space<hbm>> -> memref<1x79x128xi32, #tpu.memory_space<hbm>>
      %dma_wait3A_40 = tpu.memref_squeeze %dma_wait3A_39 : memref<1x79x128xi32, #tpu.memory_space<hbm>> -> memref<79x128xi32, #tpu.memory_space<hbm>>
      %dma_wait3A_41 = arith.constant 0 : i32
      %dma_wait3A_42 = arith.constant 0 : i32
      %dma_wait3A_43 = tpu.memref_slice %arg2[%add3A, %dma_wait3A_41, %dma_wait3A_42] : memref<32x79x128xi32, #tpu.memory_space<hbm>> -> memref<1x79x128xi32, #tpu.memory_space<hbm>>
      %dma_wait3A_44 = tpu.memref_squeeze %dma_wait3A_43 : memref<1x79x128xi32, #tpu.memory_space<hbm>> -> memref<79x128xi32, #tpu.memory_space<hbm>>
      tpu.wait_dma2 semaphore(%run_scoped3A : memref<!tpu.dma_semaphore, #tpu.memory_space<semaphore_mem>>) src(%dma_wait3A_44 : memref<79x128xi32, #tpu.memory_space<hbm>>) dst(%arg4 : memref<79x128xi32, #tpu.memory_space<vmem>>)
      tpu.yield
    }) : () -> ()
    %scan3A_18 = arith.constant 0 : i32
    %scan3A_19 = arith.constant 0 : i32
    %scan3A_20 = arith.constant 79 : i32
    %scan3A_21 = arith.addi %scan3A_19, %scan3A_20 : i32
    %scan3A_22 = arith.constant 1 : i32
    scf.for %scan3A_31 = %scan3A_19 to %scan3A_21 step %scan3A_22  : i32 {
      "tpu.region"() ({
        %run_scoped3A = tpu.sem_alloc : memref<!tpu.dma_semaphore, #tpu.memory_space<semaphore_mem>>
        %dma_start3A = arith.constant 0 : i32
        %dma_start3A_32 = tpu.memref_slice %arg4[%scan3A_31, %dma_start3A] : memref<79x128xi32, #tpu.memory_space<vmem>> -> memref<1x128xi32, #tpu.memory_space<vmem>>
        %dma_start3A_33 = tpu.memref_squeeze %dma_start3A_32 : memref<1x128xi32, #tpu.memory_space<vmem>> -> memref<128xi32, #tpu.memory_space<vmem>>
        %dma_start3A_34 = arith.constant 0 : i32
        %dma_start3A_35 = arith.constant 0 : i32
        %dma_start3A_36 = tpu.memref_slice %arg6[%dma_start3A_34, %dma_start3A_35] : memref<10240x16xf32, #tpu.memory_space<vmem_shared>> -> memref<10240x16xf32, #tpu.memory_space<vmem_shared>>
        tpu.enqueue_indirect_dma source(%arg5 : memref<128x16xf32, #tpu.memory_space<vmem>>) target(%dma_start3A_36 : memref<10240x16xf32, #tpu.memory_space<vmem_shared>>) offsets(%dma_start3A_33 : memref<128xi32, #tpu.memory_space<vmem>>) semaphore(%run_scoped3A : memref<!tpu.dma_semaphore, #tpu.memory_space<semaphore_mem>>) {add = true}
        %dma_wait3A = arith.constant 0 : i32
        %dma_wait3A_37 = tpu.memref_slice %arg4[%scan3A_31, %dma_wait3A] : memref<79x128xi32, #tpu.memory_space<vmem>> -> memref<1x128xi32, #tpu.memory_space<vmem>>
        %dma_wait3A_38 = tpu.memref_squeeze %dma_wait3A_37 : memref<1x128xi32, #tpu.memory_space<vmem>> -> memref<128xi32, #tpu.memory_space<vmem>>
        %dma_wait3A_39 = arith.constant 0 : i32
        %dma_wait3A_40 = arith.constant 0 : i32
        %dma_wait3A_41 = tpu.memref_slice %arg6[%dma_wait3A_39, %dma_wait3A_40] : memref<10240x16xf32, #tpu.memory_space<vmem_shared>> -> memref<10240x16xf32, #tpu.memory_space<vmem_shared>>
        tpu.wait_indirect_dma semaphore(%run_scoped3A : memref<!tpu.dma_semaphore, #tpu.memory_space<semaphore_mem>>) src(%arg5 : memref<128x16xf32, #tpu.memory_space<vmem>>) dst(%dma_wait3A_41 : memref<10240x16xf32, #tpu.memory_space<vmem_shared>>)
        tpu.yield
      }) : () -> ()
    }
    %scan3A_23 = arith.constant 79 : i32
    %barrier3A_24 = arith.constant 0 : index
    tpu.barrier barrier_id(%barrier3A_24)
    %scan3A_25 = arith.constant 0 : i32
    %scan3A_26 = arith.constant 0 : i32
    %scan3A_27 = arith.constant 5 : i32
    %scan3A_28 = arith.addi %scan3A_26, %scan3A_27 : i32
    %scan3A_29 = arith.constant 1 : i32
    scf.for %scan3A_31 = %scan3A_26 to %scan3A_28 step %scan3A_29  : i32 {
      %mul3A_32 = arith.constant 640 : i32
      %mul3A_33 = arith.muli %arg1, %mul3A_32 : i32
      %mul3A_34 = arith.constant 128 : i32
      %mul3A_35 = arith.muli %scan3A_31, %mul3A_34 : i32
      %add3A_36 = arith.addi %mul3A_33, %mul3A_35 : i32
      "tpu.region"() ({
        %run_scoped3A = tpu.sem_alloc : memref<!tpu.dma_semaphore, #tpu.memory_space<semaphore_mem>>
        %dma_start3A = arith.constant 0 : i32
        %dma_start3A_37 = tpu.memref_slice %arg3[%arg0, %add3A_36, %dma_start3A] : memref<2x10240x16xf32, #tpu.memory_space<hbm>> -> memref<1x128x16xf32, #tpu.memory_space<hbm>>
        %dma_start3A_38 = tpu.memref_squeeze %dma_start3A_37 : memref<1x128x16xf32, #tpu.memory_space<hbm>> -> memref<128x16xf32, #tpu.memory_space<hbm>>
        %dma_start3A_39 = arith.constant 0 : i32
        %dma_start3A_40 = tpu.memref_slice %arg6[%add3A_36, %dma_start3A_39] : memref<10240x16xf32, #tpu.memory_space<vmem_shared>> -> memref<128x16xf32, #tpu.memory_space<vmem_shared>>
        tpu.enqueue_dma source(%dma_start3A_40 : memref<128x16xf32, #tpu.memory_space<vmem_shared>>) target(%dma_start3A_38 : memref<128x16xf32, #tpu.memory_space<hbm>>) target_semaphore(%run_scoped3A : memref<!tpu.dma_semaphore, #tpu.memory_space<semaphore_mem>>)
        %dma_wait3A = arith.constant 0 : i32
        %dma_wait3A_41 = tpu.memref_slice %arg3[%arg0, %add3A_36, %dma_wait3A] : memref<2x10240x16xf32, #tpu.memory_space<hbm>> -> memref<1x128x16xf32, #tpu.memory_space<hbm>>
        %dma_wait3A_42 = tpu.memref_squeeze %dma_wait3A_41 : memref<1x128x16xf32, #tpu.memory_space<hbm>> -> memref<128x16xf32, #tpu.memory_space<hbm>>
        %dma_wait3A_43 = arith.constant 0 : i32
        %dma_wait3A_44 = tpu.memref_slice %arg6[%add3A_36, %dma_wait3A_43] : memref<10240x16xf32, #tpu.memory_space<vmem_shared>> -> memref<128x16xf32, #tpu.memory_space<vmem_shared>>
        tpu.wait_dma2 semaphore(%run_scoped3A : memref<!tpu.dma_semaphore, #tpu.memory_space<semaphore_mem>>) src(%dma_wait3A_44 : memref<128x16xf32, #tpu.memory_space<vmem_shared>>) dst(%dma_wait3A_42 : memref<128x16xf32, #tpu.memory_space<hbm>>)
        tpu.yield
      }) : () -> ()
    }
    %scan3A_30 = arith.constant 5 : i32
    return
  }
}

#map = affine_map<(d0, d1) -> (0, 0)>
#map1 = affine_map<(d0, d1) -> (0, 0, 0)>
module attributes {stable_mosaic.version = 14 : i64} {
  func.func @_agg_body(%arg0: i32, %arg1: i32, %arg2: memref<10240x128xf32, #tpu.memory_space<hbm>>, %arg3: memref<32x79x128xi32, #tpu.memory_space<hbm>>, %arg4: memref<32x79x128xi32, #tpu.memory_space<hbm>>, %arg5: memref<2x10240x128xf32, #tpu.memory_space<hbm>>, %arg6: memref<79x128xi32, #tpu.memory_space<vmem>>, %arg7: memref<79x128xi32, #tpu.memory_space<vmem>>, %arg8: memref<128x128xf32, #tpu.memory_space<vmem>>, %arg9: memref<10240x128xf32, #tpu.memory_space<vmem_shared>>) attributes {dimension_semantics = [#tpu.dimension_semantics<core_parallel>, #tpu.dimension_semantics<subcore_parallel>], iteration_bounds = array<i64: 2, 16>, scalar_prefetch = 0 : i64, scratch_operands = 4 : i64, tpu.core_type = #tpu.core_type<sc_vector_subcore>, window_params = [{transform_indices = #map}, {transform_indices = #map1}, {transform_indices = #map1}, {transform_indices = #map1}]} {
    %mul3A = arith.constant 2 : i32
    %mul3A_0 = arith.muli %arg1, %mul3A : i32
    %add3A = arith.addi %mul3A_0, %arg0 : i32
    %scan3A = arith.constant 0 : i32
    %scan3A_1 = arith.constant 0 : i32
    %scan3A_2 = arith.constant 1024 : i32
    %scan3A_3 = arith.addi %scan3A_1, %scan3A_2 : i32
    %scan3A_4 = arith.constant 1 : i32
    scf.for %scan3A_25 = %scan3A_1 to %scan3A_3 step %scan3A_4  : i32 {
      %jit3A = arith.constant 8 : i32
      %div3A = arith.divsi %scan3A_25, %jit3A : i32
      %sign3A = arith.constant 0 : i32
      %sign3A_26 = arith.cmpi sgt, %scan3A_25, %sign3A : i32
      %sign3A_27 = arith.extui %sign3A_26 : i1 to i32
      %sign3A_28 = arith.constant 0 : i32
      %sign3A_29 = arith.cmpi slt, %scan3A_25, %sign3A_28 : i32
      %sign3A_30 = arith.extui %sign3A_29 : i1 to i32
      %sign3A_31 = arith.subi %sign3A_27, %sign3A_30 : i32
      %sign3A_32 = arith.constant 0 : i32
      %sign3A_33 = arith.cmpi sgt, %jit3A, %sign3A_32 : i32
      %sign3A_34 = arith.extui %sign3A_33 : i1 to i32
      %sign3A_35 = arith.constant 0 : i32
      %sign3A_36 = arith.cmpi slt, %jit3A, %sign3A_35 : i32
      %sign3A_37 = arith.extui %sign3A_36 : i1 to i32
      %sign3A_38 = arith.subi %sign3A_34, %sign3A_37 : i32
      %ne3A = arith.cmpi ne, %sign3A_31, %sign3A_38 : i32
      %rem3A = arith.remsi %scan3A_25, %jit3A : i32
      %ne3A_39 = arith.constant 0 : i32
      %ne3A_40 = arith.cmpi ne, %rem3A, %ne3A_39 : i32
      %and3A = arith.andi %ne3A, %ne3A_40 : i1
      %sub3A = arith.constant 1 : i32
      %sub3A_41 = arith.subi %div3A, %sub3A : i32
      %select_n3A = arith.select %and3A, %sub3A_41, %div3A : i32
      %jit3A_42 = arith.constant 8 : i32
      %eq3A = arith.constant 0 : i32
      %eq3A_43 = arith.cmpi eq, %jit3A_42, %eq3A : i32
      %jit3A_44 = arith.constant 1 : i32
      %select_n3A_45 = arith.select %eq3A_43, %jit3A_44, %jit3A_42 : i32
      %rem3A_46 = arith.remsi %scan3A_25, %select_n3A_45 : i32
      %ne3A_47 = arith.constant 0 : i32
      %ne3A_48 = arith.cmpi ne, %rem3A_46, %ne3A_47 : i32
      %lt3A = arith.constant 0 : i32
      %lt3A_49 = arith.cmpi slt, %rem3A_46, %lt3A : i32
      %lt3A_50 = arith.constant 0 : i32
      %lt3A_51 = arith.cmpi slt, %select_n3A_45, %lt3A_50 : i32
      %ne3A_52 = arith.xori %lt3A_49, %lt3A_51 : i1
      %and3A_53 = arith.andi %ne3A_52, %ne3A_48 : i1
      %add3A_54 = arith.addi %rem3A_46, %select_n3A_45 : i32
      %select_n3A_55 = arith.select %and3A_53, %add3A_54, %rem3A_46 : i32
      %mul3A_56 = arith.constant 16 : i32
      %mul3A_57 = arith.muli %select_n3A_55, %mul3A_56 : i32
      %broadcast_in_dim3A = arith.constant 0.000000e+00 : f32
      %broadcast_in_dim3A_58 = vector.broadcast %broadcast_in_dim3A : f32 to vector<16xf32>
      %swap3A = arith.index_cast %select_n3A : i32 to index
      %swap3A_59 = arith.index_cast %mul3A_57 : i32 to index
      %swap3A_60 = tpu.vector_load %arg8[%swap3A, %swap3A_59] {strides = array<i32>} : memref<128x128xf32, #tpu.memory_space<vmem>>, vector<1x16xf32>,
      %swap3A_61 = vector.shape_cast %swap3A_60 : vector<1x16xf32> to vector<16xf32>
      %swap3A_62 = vector.shape_cast %broadcast_in_dim3A_58 : vector<16xf32> to vector<1x16xf32>
      tpu.vector_store %arg8[%swap3A, %swap3A_59], %swap3A_62 {strides = array<i32>} : memref<128x128xf32, #tpu.memory_space<vmem>>, vector<1x16xf32>,
    }
    %scan3A_5 = arith.constant 1024 : i32
    %scan3A_6 = arith.constant 0 : i32
    %scan3A_7 = arith.constant 0 : i32
    %scan3A_8 = arith.constant 5 : i32
    %scan3A_9 = arith.addi %scan3A_7, %scan3A_8 : i32
    %scan3A_10 = arith.constant 1 : i32
    scf.for %scan3A_25 = %scan3A_7 to %scan3A_9 step %scan3A_10  : i32 {
      %mul3A_26 = arith.constant 640 : i32
      %mul3A_27 = arith.muli %arg1, %mul3A_26 : i32
      %mul3A_28 = arith.constant 128 : i32
      %mul3A_29 = arith.muli %scan3A_25, %mul3A_28 : i32
      %add3A_30 = arith.addi %mul3A_27, %mul3A_29 : i32
      "tpu.region"() ({
        %run_scoped3A = tpu.sem_alloc : memref<!tpu.dma_semaphore, #tpu.memory_space<semaphore_mem>>
        %dma_start3A = arith.constant 0 : i32
        %dma_start3A_31 = tpu.memref_slice %arg9[%add3A_30, %dma_start3A] : memref<10240x128xf32, #tpu.memory_space<vmem_shared>> -> memref<128x128xf32, #tpu.memory_space<vmem_shared>>
        %dma_start3A_32 = arith.constant 0 : i32
        %dma_start3A_33 = tpu.memref_slice %arg9[%add3A_30, %dma_start3A_32] : memref<10240x128xf32, #tpu.memory_space<vmem_shared>> -> memref<128x128xf32, #tpu.memory_space<vmem_shared>>
        tpu.enqueue_dma source(%arg8 : memref<128x128xf32, #tpu.memory_space<vmem>>) target(%dma_start3A_33 : memref<128x128xf32, #tpu.memory_space<vmem_shared>>) target_semaphore(%run_scoped3A : memref<!tpu.dma_semaphore, #tpu.memory_space<semaphore_mem>>)
        %dma_wait3A = arith.constant 0 : i32
        %dma_wait3A_34 = tpu.memref_slice %arg9[%add3A_30, %dma_wait3A] : memref<10240x128xf32, #tpu.memory_space<vmem_shared>> -> memref<128x128xf32, #tpu.memory_space<vmem_shared>>
        %dma_wait3A_35 = arith.constant 0 : i32
        %dma_wait3A_36 = tpu.memref_slice %arg9[%add3A_30, %dma_wait3A_35] : memref<10240x128xf32, #tpu.memory_space<vmem_shared>> -> memref<128x128xf32, #tpu.memory_space<vmem_shared>>
        tpu.wait_dma2 semaphore(%run_scoped3A : memref<!tpu.dma_semaphore, #tpu.memory_space<semaphore_mem>>) src(%arg8 : memref<128x128xf32, #tpu.memory_space<vmem>>) dst(%dma_wait3A_36 : memref<128x128xf32, #tpu.memory_space<vmem_shared>>)
        tpu.yield
      }) : () -> ()
    }
    %scan3A_11 = arith.constant 5 : i32
    %barrier3A = arith.constant 0 : index
    tpu.barrier barrier_id(%barrier3A)
    "tpu.region"() ({
      %run_scoped3A = tpu.sem_alloc : memref<!tpu.dma_semaphore, #tpu.memory_space<semaphore_mem>>
      %dma_start3A = arith.constant 0 : i32
      %dma_start3A_25 = arith.constant 0 : i32
      %dma_start3A_26 = tpu.memref_slice %arg3[%add3A, %dma_start3A, %dma_start3A_25] : memref<32x79x128xi32, #tpu.memory_space<hbm>> -> memref<1x79x128xi32, #tpu.memory_space<hbm>>
      %dma_start3A_27 = tpu.memref_squeeze %dma_start3A_26 : memref<1x79x128xi32, #tpu.memory_space<hbm>> -> memref<79x128xi32, #tpu.memory_space<hbm>>
      %dma_start3A_28 = arith.constant 0 : i32
      %dma_start3A_29 = arith.constant 0 : i32
      %dma_start3A_30 = tpu.memref_slice %arg3[%add3A, %dma_start3A_28, %dma_start3A_29] : memref<32x79x128xi32, #tpu.memory_space<hbm>> -> memref<1x79x128xi32, #tpu.memory_space<hbm>>
      %dma_start3A_31 = tpu.memref_squeeze %dma_start3A_30 : memref<1x79x128xi32, #tpu.memory_space<hbm>> -> memref<79x128xi32, #tpu.memory_space<hbm>>
      tpu.enqueue_dma source(%dma_start3A_31 : memref<79x128xi32, #tpu.memory_space<hbm>>) target(%arg6 : memref<79x128xi32, #tpu.memory_space<vmem>>) target_semaphore(%run_scoped3A : memref<!tpu.dma_semaphore, #tpu.memory_space<semaphore_mem>>)
      %dma_wait3A = arith.constant 0 : i32
      %dma_wait3A_32 = arith.constant 0 : i32
      %dma_wait3A_33 = tpu.memref_slice %arg3[%add3A, %dma_wait3A, %dma_wait3A_32] : memref<32x79x128xi32, #tpu.memory_space<hbm>> -> memref<1x79x128xi32, #tpu.memory_space<hbm>>
      %dma_wait3A_34 = tpu.memref_squeeze %dma_wait3A_33 : memref<1x79x128xi32, #tpu.memory_space<hbm>> -> memref<79x128xi32, #tpu.memory_space<hbm>>
      %dma_wait3A_35 = arith.constant 0 : i32
      %dma_wait3A_36 = arith.constant 0 : i32
      %dma_wait3A_37 = tpu.memref_slice %arg3[%add3A, %dma_wait3A_35, %dma_wait3A_36] : memref<32x79x128xi32, #tpu.memory_space<hbm>> -> memref<1x79x128xi32, #tpu.memory_space<hbm>>
      %dma_wait3A_38 = tpu.memref_squeeze %dma_wait3A_37 : memref<1x79x128xi32, #tpu.memory_space<hbm>> -> memref<79x128xi32, #tpu.memory_space<hbm>>
      tpu.wait_dma2 semaphore(%run_scoped3A : memref<!tpu.dma_semaphore, #tpu.memory_space<semaphore_mem>>) src(%dma_wait3A_38 : memref<79x128xi32, #tpu.memory_space<hbm>>) dst(%arg6 : memref<79x128xi32, #tpu.memory_space<vmem>>)
      tpu.yield
    }) : () -> ()
    "tpu.region"() ({
      %run_scoped3A = tpu.sem_alloc : memref<!tpu.dma_semaphore, #tpu.memory_space<semaphore_mem>>
      %dma_start3A = arith.constant 0 : i32
      %dma_start3A_25 = arith.constant 0 : i32
      %dma_start3A_26 = tpu.memref_slice %arg4[%add3A, %dma_start3A, %dma_start3A_25] : memref<32x79x128xi32, #tpu.memory_space<hbm>> -> memref<1x79x128xi32, #tpu.memory_space<hbm>>
      %dma_start3A_27 = tpu.memref_squeeze %dma_start3A_26 : memref<1x79x128xi32, #tpu.memory_space<hbm>> -> memref<79x128xi32, #tpu.memory_space<hbm>>
      %dma_start3A_28 = arith.constant 0 : i32
      %dma_start3A_29 = arith.constant 0 : i32
      %dma_start3A_30 = tpu.memref_slice %arg4[%add3A, %dma_start3A_28, %dma_start3A_29] : memref<32x79x128xi32, #tpu.memory_space<hbm>> -> memref<1x79x128xi32, #tpu.memory_space<hbm>>
      %dma_start3A_31 = tpu.memref_squeeze %dma_start3A_30 : memref<1x79x128xi32, #tpu.memory_space<hbm>> -> memref<79x128xi32, #tpu.memory_space<hbm>>
      tpu.enqueue_dma source(%dma_start3A_31 : memref<79x128xi32, #tpu.memory_space<hbm>>) target(%arg7 : memref<79x128xi32, #tpu.memory_space<vmem>>) target_semaphore(%run_scoped3A : memref<!tpu.dma_semaphore, #tpu.memory_space<semaphore_mem>>)
      %dma_wait3A = arith.constant 0 : i32
      %dma_wait3A_32 = arith.constant 0 : i32
      %dma_wait3A_33 = tpu.memref_slice %arg4[%add3A, %dma_wait3A, %dma_wait3A_32] : memref<32x79x128xi32, #tpu.memory_space<hbm>> -> memref<1x79x128xi32, #tpu.memory_space<hbm>>
      %dma_wait3A_34 = tpu.memref_squeeze %dma_wait3A_33 : memref<1x79x128xi32, #tpu.memory_space<hbm>> -> memref<79x128xi32, #tpu.memory_space<hbm>>
      %dma_wait3A_35 = arith.constant 0 : i32
      %dma_wait3A_36 = arith.constant 0 : i32
      %dma_wait3A_37 = tpu.memref_slice %arg4[%add3A, %dma_wait3A_35, %dma_wait3A_36] : memref<32x79x128xi32, #tpu.memory_space<hbm>> -> memref<1x79x128xi32, #tpu.memory_space<hbm>>
      %dma_wait3A_38 = tpu.memref_squeeze %dma_wait3A_37 : memref<1x79x128xi32, #tpu.memory_space<hbm>> -> memref<79x128xi32, #tpu.memory_space<hbm>>
      tpu.wait_dma2 semaphore(%run_scoped3A : memref<!tpu.dma_semaphore, #tpu.memory_space<semaphore_mem>>) src(%dma_wait3A_38 : memref<79x128xi32, #tpu.memory_space<hbm>>) dst(%arg7 : memref<79x128xi32, #tpu.memory_space<vmem>>)
      tpu.yield
    }) : () -> ()
    %scan3A_12 = arith.constant 0 : i32
    %scan3A_13 = arith.constant 0 : i32
    %scan3A_14 = arith.constant 79 : i32
    %scan3A_15 = arith.addi %scan3A_13, %scan3A_14 : i32
    %scan3A_16 = arith.constant 1 : i32
    scf.for %scan3A_25 = %scan3A_13 to %scan3A_15 step %scan3A_16  : i32 {
      "tpu.region"() ({
        %run_scoped3A = tpu.sem_alloc : memref<!tpu.dma_semaphore, #tpu.memory_space<semaphore_mem>>
        %dma_start3A = arith.constant 0 : i32
        %dma_start3A_26 = tpu.memref_slice %arg6[%scan3A_25, %dma_start3A] : memref<79x128xi32, #tpu.memory_space<vmem>> -> memref<1x128xi32, #tpu.memory_space<vmem>>
        %dma_start3A_27 = tpu.memref_squeeze %dma_start3A_26 : memref<1x128xi32, #tpu.memory_space<vmem>> -> memref<128xi32, #tpu.memory_space<vmem>>
        %dma_start3A_28 = arith.constant 0 : i32
        %dma_start3A_29 = arith.constant 0 : i32
        %dma_start3A_30 = tpu.memref_slice %arg2[%dma_start3A_28, %dma_start3A_29] : memref<10240x128xf32, #tpu.memory_space<hbm>> -> memref<10240x128xf32, #tpu.memory_space<hbm>>
        tpu.enqueue_indirect_dma source(%dma_start3A_30 : memref<10240x128xf32, #tpu.memory_space<hbm>>) target(%arg8 : memref<128x128xf32, #tpu.memory_space<vmem>>) offsets(%dma_start3A_27 : memref<128xi32, #tpu.memory_space<vmem>>) semaphore(%run_scoped3A : memref<!tpu.dma_semaphore, #tpu.memory_space<semaphore_mem>>)
        %dma_wait3A = arith.constant 0 : i32
        %dma_wait3A_31 = tpu.memref_slice %arg6[%scan3A_25, %dma_wait3A] : memref<79x128xi32, #tpu.memory_space<vmem>> -> memref<1x128xi32, #tpu.memory_space<vmem>>
        %dma_wait3A_32 = tpu.memref_squeeze %dma_wait3A_31 : memref<1x128xi32, #tpu.memory_space<vmem>> -> memref<128xi32, #tpu.memory_space<vmem>>
        %dma_wait3A_33 = arith.constant 0 : i32
        %dma_wait3A_34 = arith.constant 0 : i32
        %dma_wait3A_35 = tpu.memref_slice %arg2[%dma_wait3A_33, %dma_wait3A_34] : memref<10240x128xf32, #tpu.memory_space<hbm>> -> memref<10240x128xf32, #tpu.memory_space<hbm>>
        tpu.wait_indirect_dma semaphore(%run_scoped3A : memref<!tpu.dma_semaphore, #tpu.memory_space<semaphore_mem>>) src(%dma_wait3A_35 : memref<10240x128xf32, #tpu.memory_space<hbm>>) dst(%arg8 : memref<128x128xf32, #tpu.memory_space<vmem>>)
        tpu.yield
      }) : () -> ()
      "tpu.region"() ({
        %run_scoped3A = tpu.sem_alloc : memref<!tpu.dma_semaphore, #tpu.memory_space<semaphore_mem>>
        %dma_start3A = arith.constant 0 : i32
        %dma_start3A_26 = tpu.memref_slice %arg7[%scan3A_25, %dma_start3A] : memref<79x128xi32, #tpu.memory_space<vmem>> -> memref<1x128xi32, #tpu.memory_space<vmem>>
        %dma_start3A_27 = tpu.memref_squeeze %dma_start3A_26 : memref<1x128xi32, #tpu.memory_space<vmem>> -> memref<128xi32, #tpu.memory_space<vmem>>
        %dma_start3A_28 = arith.constant 0 : i32
        %dma_start3A_29 = arith.constant 0 : i32
        %dma_start3A_30 = tpu.memref_slice %arg9[%dma_start3A_28, %dma_start3A_29] : memref<10240x128xf32, #tpu.memory_space<vmem_shared>> -> memref<10240x128xf32, #tpu.memory_space<vmem_shared>>
        tpu.enqueue_indirect_dma source(%arg8 : memref<128x128xf32, #tpu.memory_space<vmem>>) target(%dma_start3A_30 : memref<10240x128xf32, #tpu.memory_space<vmem_shared>>) offsets(%dma_start3A_27 : memref<128xi32, #tpu.memory_space<vmem>>) semaphore(%run_scoped3A : memref<!tpu.dma_semaphore, #tpu.memory_space<semaphore_mem>>) {add = true}
        %dma_wait3A = arith.constant 0 : i32
        %dma_wait3A_31 = tpu.memref_slice %arg7[%scan3A_25, %dma_wait3A] : memref<79x128xi32, #tpu.memory_space<vmem>> -> memref<1x128xi32, #tpu.memory_space<vmem>>
        %dma_wait3A_32 = tpu.memref_squeeze %dma_wait3A_31 : memref<1x128xi32, #tpu.memory_space<vmem>> -> memref<128xi32, #tpu.memory_space<vmem>>
        %dma_wait3A_33 = arith.constant 0 : i32
        %dma_wait3A_34 = arith.constant 0 : i32
        %dma_wait3A_35 = tpu.memref_slice %arg9[%dma_wait3A_33, %dma_wait3A_34] : memref<10240x128xf32, #tpu.memory_space<vmem_shared>> -> memref<10240x128xf32, #tpu.memory_space<vmem_shared>>
        tpu.wait_indirect_dma semaphore(%run_scoped3A : memref<!tpu.dma_semaphore, #tpu.memory_space<semaphore_mem>>) src(%arg8 : memref<128x128xf32, #tpu.memory_space<vmem>>) dst(%dma_wait3A_35 : memref<10240x128xf32, #tpu.memory_space<vmem_shared>>)
        tpu.yield
      }) : () -> ()
    }
    %scan3A_17 = arith.constant 79 : i32
    %barrier3A_18 = arith.constant 0 : index
    tpu.barrier barrier_id(%barrier3A_18)
    %scan3A_19 = arith.constant 0 : i32
    %scan3A_20 = arith.constant 0 : i32
    %scan3A_21 = arith.constant 5 : i32
    %scan3A_22 = arith.addi %scan3A_20, %scan3A_21 : i32
    %scan3A_23 = arith.constant 1 : i32
    scf.for %scan3A_25 = %scan3A_20 to %scan3A_22 step %scan3A_23  : i32 {
      %mul3A_26 = arith.constant 640 : i32
      %mul3A_27 = arith.muli %arg1, %mul3A_26 : i32
      %mul3A_28 = arith.constant 128 : i32
      %mul3A_29 = arith.muli %scan3A_25, %mul3A_28 : i32
      %add3A_30 = arith.addi %mul3A_27, %mul3A_29 : i32
      "tpu.region"() ({
        %run_scoped3A = tpu.sem_alloc : memref<!tpu.dma_semaphore, #tpu.memory_space<semaphore_mem>>
        %dma_start3A = arith.constant 0 : i32
        %dma_start3A_31 = tpu.memref_slice %arg5[%arg0, %add3A_30, %dma_start3A] : memref<2x10240x128xf32, #tpu.memory_space<hbm>> -> memref<1x128x128xf32, #tpu.memory_space<hbm>>
        %dma_start3A_32 = tpu.memref_squeeze %dma_start3A_31 : memref<1x128x128xf32, #tpu.memory_space<hbm>> -> memref<128x128xf32, #tpu.memory_space<hbm>>
        %dma_start3A_33 = arith.constant 0 : i32
        %dma_start3A_34 = tpu.memref_slice %arg9[%add3A_30, %dma_start3A_33] : memref<10240x128xf32, #tpu.memory_space<vmem_shared>> -> memref<128x128xf32, #tpu.memory_space<vmem_shared>>
        tpu.enqueue_dma source(%dma_start3A_34 : memref<128x128xf32, #tpu.memory_space<vmem_shared>>) target(%dma_start3A_32 : memref<128x128xf32, #tpu.memory_space<hbm>>) target_semaphore(%run_scoped3A : memref<!tpu.dma_semaphore, #tpu.memory_space<semaphore_mem>>)
        %dma_wait3A = arith.constant 0 : i32
        %dma_wait3A_35 = tpu.memref_slice %arg5[%arg0, %add3A_30, %dma_wait3A] : memref<2x10240x128xf32, #tpu.memory_space<hbm>> -> memref<1x128x128xf32, #tpu.memory_space<hbm>>
        %dma_wait3A_36 = tpu.memref_squeeze %dma_wait3A_35 : memref<1x128x128xf32, #tpu.memory_space<hbm>> -> memref<128x128xf32, #tpu.memory_space<hbm>>
        %dma_wait3A_37 = arith.constant 0 : i32
        %dma_wait3A_38 = tpu.memref_slice %arg9[%add3A_30, %dma_wait3A_37] : memref<10240x128xf32, #tpu.memory_space<vmem_shared>> -> memref<128x128xf32, #tpu.memory_space<vmem_shared>>
        tpu.wait_dma2 semaphore(%run_scoped3A : memref<!tpu.dma_semaphore, #tpu.memory_space<semaphore_mem>>) src(%dma_wait3A_38 : memref<128x128xf32, #tpu.memory_space<vmem_shared>>) dst(%dma_wait3A_36 : memref<128x128xf32, #tpu.memory_space<hbm>>)
        tpu.yield
      }) : () -> ()
    }
    %scan3A_24 = arith.constant 5 : i32
    return
  }
}

module attributes {stable_mosaic.version = 14 : i64} {
  func.func @_scale_body(%arg0: memref<10240x128xf32, #tpu.memory_space<vmem>>, %arg1: memref<2x10240x16xf32, #tpu.memory_space<vmem>>, %arg2: memref<10240x128xf32, #tpu.memory_space<vmem>>) attributes {dimension_semantics = [], scalar_prefetch = 0 : i64, scratch_operands = 0 : i64, tpu.core_type = #tpu.core_type<tc>} {
    %get3A = arith.constant 0 : index
    %get3A_0 = arith.constant 0 : index
    %get3A_1 = arith.constant 0 : index
    %get3A_2 = vector.load %arg1[%get3A, %get3A_0, %get3A_1] : memref<2x10240x16xf32, #tpu.memory_space<vmem>>, vector<1x10240x1xf32>
    %get3A_3 = vector.shape_cast %get3A_2 : vector<1x10240x1xf32> to vector<10240x1xf32>
    %get3A_4 = arith.constant 1 : index
    %get3A_5 = arith.constant 0 : index
    %get3A_6 = arith.constant 0 : index
    %get3A_7 = vector.load %arg1[%get3A_4, %get3A_5, %get3A_6] : memref<2x10240x16xf32, #tpu.memory_space<vmem>>, vector<1x10240x1xf32>
    %get3A_8 = vector.shape_cast %get3A_7 : vector<1x10240x1xf32> to vector<10240x1xf32>
    %add3A = arith.addf %get3A_3, %get3A_8 : vector<10240x1xf32>
    %add3A_9 = arith.constant 1.000000e+00 : f32
    %add3A_10 = vector.broadcast %add3A_9 : f32 to vector<10240x1xf32>
    %add3A_11 = arith.addf %add3A, %add3A_10 : vector<10240x1xf32>
    %rsqrt3A = math.rsqrt %add3A_11 : vector<10240x1xf32>
    %get3A_12 = arith.constant 0 : index
    %get3A_13 = arith.constant 0 : index
    %get3A_14 = vector.load %arg0[%get3A_12, %get3A_13] : memref<10240x128xf32, #tpu.memory_space<vmem>>, vector<10240x128xf32>
    %mul3A = vector.broadcast %rsqrt3A : vector<10240x1xf32> to vector<10240x128xf32>
    %mul3A_15 = arith.mulf %get3A_14, %mul3A : vector<10240x128xf32>
    %swap3A = arith.constant 0 : index
    %swap3A_16 = arith.constant 0 : index
    %swap3A_17 = vector.load %arg2[%swap3A, %swap3A_16] : memref<10240x128xf32, #tpu.memory_space<vmem>>, vector<10240x128xf32>
    tpu.vector_store %arg2[%swap3A, %swap3A_16], %mul3A_15 {strides = array<i32>} : memref<10240x128xf32, #tpu.memory_space<vmem>>, vector<10240x128xf32>,
    return
  }
}

module attributes {stable_mosaic.version = 14 : i64} {
  func.func @_mm_body(%arg0: memref<10240x128xf32, #tpu.memory_space<vmem>>, %arg1: memref<128x128xf32, #tpu.memory_space<vmem>>, %arg2: memref<10240x128xf32, #tpu.memory_space<vmem>>) attributes {dimension_semantics = [], scalar_prefetch = 0 : i64, scratch_operands = 0 : i64, tpu.core_type = #tpu.core_type<tc>} {
    %get3A = arith.constant 0 : index
    %get3A_0 = arith.constant 0 : index
    %get3A_1 = vector.load %arg0[%get3A, %get3A_0] : memref<10240x128xf32, #tpu.memory_space<vmem>>, vector<10240x128xf32>
    %get3A_2 = arith.constant 0 : index
    %get3A_3 = arith.constant 0 : index
    %get3A_4 = vector.load %arg1[%get3A_2, %get3A_3] : memref<128x128xf32, #tpu.memory_space<vmem>>, vector<128x128xf32>
    %dot_general3A = arith.constant dense<0.000000e+00> : vector<10240x128xf32>
    %dot_general3A_5 = tpu.matmul %get3A_1, %get3A_4, %dot_general3A {dimension_numbers = #tpu.dot_dimension_numbers<[1], [0], [0], [1], [0, 0, 1, 1], [], []>, transpose_lhs_hint = false} : vector<10240x128xf32>, vector<128x128xf32>, vector<10240x128xf32> -> vector<10240x128xf32>
    %swap3A = arith.constant 0 : index
    %swap3A_6 = arith.constant 0 : index
    %swap3A_7 = vector.load %arg2[%swap3A, %swap3A_6] : memref<10240x128xf32, #tpu.memory_space<vmem>>, vector<10240x128xf32>
    tpu.vector_store %arg2[%swap3A, %swap3A_6], %dot_general3A_5 {strides = array<i32>} : memref<10240x128xf32, #tpu.memory_space<vmem>>, vector<10240x128xf32>,
    return
  }
}

module attributes {stable_mosaic.version = 14 : i64} {
  func.func @_mid_body(%arg0: memref<2x10240x128xf32, #tpu.memory_space<vmem>>, %arg1: memref<10240x128xf32, #tpu.memory_space<vmem>>, %arg2: memref<2x10240x16xf32, #tpu.memory_space<vmem>>, %arg3: memref<128x128xf32, #tpu.memory_space<vmem>>, %arg4: memref<1x128xf32, #tpu.memory_space<vmem>>, %arg5: memref<10240x128xf32, #tpu.memory_space<vmem>>, %arg6: memref<10240x128xf32, #tpu.memory_space<vmem>>) attributes {dimension_semantics = [], scalar_prefetch = 0 : i64, scratch_operands = 0 : i64, tpu.core_type = #tpu.core_type<tc>} {
    %get3A = arith.constant 0 : index
    %get3A_0 = arith.constant 0 : index
    %get3A_1 = arith.constant 0 : index
    %get3A_2 = vector.load %arg2[%get3A, %get3A_0, %get3A_1] : memref<2x10240x16xf32, #tpu.memory_space<vmem>>, vector<1x10240x1xf32>
    %get3A_3 = vector.shape_cast %get3A_2 : vector<1x10240x1xf32> to vector<10240x1xf32>
    %get3A_4 = arith.constant 1 : index
    %get3A_5 = arith.constant 0 : index
    %get3A_6 = arith.constant 0 : index
    %get3A_7 = vector.load %arg2[%get3A_4, %get3A_5, %get3A_6] : memref<2x10240x16xf32, #tpu.memory_space<vmem>>, vector<1x10240x1xf32>
    %get3A_8 = vector.shape_cast %get3A_7 : vector<1x10240x1xf32> to vector<10240x1xf32>
    %add3A = arith.addf %get3A_3, %get3A_8 : vector<10240x1xf32>
    %add3A_9 = arith.constant 1.000000e+00 : f32
    %add3A_10 = vector.broadcast %add3A_9 : f32 to vector<10240x1xf32>
    %add3A_11 = arith.addf %add3A, %add3A_10 : vector<10240x1xf32>
    %rsqrt3A = math.rsqrt %add3A_11 : vector<10240x1xf32>
    %get3A_12 = arith.constant 0 : index
    %get3A_13 = arith.constant 0 : index
    %get3A_14 = arith.constant 0 : index
    %get3A_15 = vector.load %arg0[%get3A_12, %get3A_13, %get3A_14] : memref<2x10240x128xf32, #tpu.memory_space<vmem>>, vector<1x10240x128xf32>
    %get3A_16 = vector.shape_cast %get3A_15 : vector<1x10240x128xf32> to vector<10240x128xf32>
    %get3A_17 = arith.constant 1 : index
    %get3A_18 = arith.constant 0 : index
    %get3A_19 = arith.constant 0 : index
    %get3A_20 = vector.load %arg0[%get3A_17, %get3A_18, %get3A_19] : memref<2x10240x128xf32, #tpu.memory_space<vmem>>, vector<1x10240x128xf32>
    %get3A_21 = vector.shape_cast %get3A_20 : vector<1x10240x128xf32> to vector<10240x128xf32>
    %add3A_22 = arith.addf %get3A_16, %get3A_21 : vector<10240x128xf32>
    %mul3A = vector.broadcast %rsqrt3A : vector<10240x1xf32> to vector<10240x128xf32>
    %mul3A_23 = arith.mulf %mul3A, %add3A_22 : vector<10240x128xf32>
    %mul3A_24 = arith.mulf %rsqrt3A, %rsqrt3A : vector<10240x1xf32>
    %get3A_25 = arith.constant 0 : index
    %get3A_26 = arith.constant 0 : index
    %get3A_27 = vector.load %arg1[%get3A_25, %get3A_26] : memref<10240x128xf32, #tpu.memory_space<vmem>>, vector<10240x128xf32>
    %mul3A_28 = vector.broadcast %mul3A_24 : vector<10240x1xf32> to vector<10240x128xf32>
    %mul3A_29 = arith.mulf %mul3A_28, %get3A_27 : vector<10240x128xf32>
    %add3A_30 = arith.addf %mul3A_23, %mul3A_29 : vector<10240x128xf32>
    %get3A_31 = arith.constant 0 : index
    %get3A_32 = arith.constant 0 : index
    %get3A_33 = vector.load %arg4[%get3A_31, %get3A_32] : memref<1x128xf32, #tpu.memory_space<vmem>>, vector<1x128xf32>
    %add3A_34 = vector.broadcast %get3A_33 : vector<1x128xf32> to vector<10240x128xf32>
    %add3A_35 = arith.addf %add3A_30, %add3A_34 : vector<10240x128xf32>
    %max3A = arith.constant 0.000000e+00 : f32
    %max3A_36 = vector.broadcast %max3A : f32 to vector<10240x128xf32>
    %max3A_37 = arith.maximumf %add3A_35, %max3A_36 : vector<10240x128xf32>
    %get3A_38 = arith.constant 0 : index
    %get3A_39 = arith.constant 0 : index
    %get3A_40 = vector.load %arg3[%get3A_38, %get3A_39] : memref<128x128xf32, #tpu.memory_space<vmem>>, vector<128x128xf32>
    %dot_general3A = arith.constant dense<0.000000e+00> : vector<10240x128xf32>
    %dot_general3A_41 = tpu.matmul %max3A_37, %get3A_40, %dot_general3A {dimension_numbers = #tpu.dot_dimension_numbers<[1], [0], [0], [1], [0, 0, 1, 1], [], []>, transpose_lhs_hint = false} : vector<10240x128xf32>, vector<128x128xf32>, vector<10240x128xf32> -> vector<10240x128xf32>
    %swap3A = arith.constant 0 : index
    %swap3A_42 = arith.constant 0 : index
    %swap3A_43 = vector.load %arg5[%swap3A, %swap3A_42] : memref<10240x128xf32, #tpu.memory_space<vmem>>, vector<10240x128xf32>
    tpu.vector_store %arg5[%swap3A, %swap3A_42], %dot_general3A_41 {strides = array<i32>} : memref<10240x128xf32, #tpu.memory_space<vmem>>, vector<10240x128xf32>,
    %mul3A_44 = vector.broadcast %rsqrt3A : vector<10240x1xf32> to vector<10240x128xf32>
    %mul3A_45 = arith.mulf %dot_general3A_41, %mul3A_44 : vector<10240x128xf32>
    %swap3A_46 = arith.constant 0 : index
    %swap3A_47 = arith.constant 0 : index
    %swap3A_48 = vector.load %arg6[%swap3A_46, %swap3A_47] : memref<10240x128xf32, #tpu.memory_space<vmem>>, vector<10240x128xf32>
    tpu.vector_store %arg6[%swap3A_46, %swap3A_47], %mul3A_45 {strides = array<i32>} : memref<10240x128xf32, #tpu.memory_space<vmem>>, vector<10240x128xf32>,
    return
  }
}

module attributes {stable_mosaic.version = 14 : i64} {
  func.func @_final_body(%arg0: memref<2x10240x128xf32, #tpu.memory_space<vmem>>, %arg1: memref<10240x128xf32, #tpu.memory_space<vmem>>, %arg2: memref<2x10240x16xf32, #tpu.memory_space<vmem>>, %arg3: memref<1x128xf32, #tpu.memory_space<vmem>>, %arg4: memref<10240x1xf32, #tpu.memory_space<vmem>>, %arg5: memref<128x10xf32, #tpu.memory_space<vmem>>, %arg6: memref<1x10xf32, #tpu.memory_space<vmem>>, %arg7: memref<64x10xf32, #tpu.memory_space<vmem>>) attributes {dimension_semantics = [], scalar_prefetch = 0 : i64, scratch_operands = 0 : i64, tpu.core_type = #tpu.core_type<tc>} {
    %get3A = arith.constant 0 : index
    %get3A_0 = arith.constant 0 : index
    %get3A_1 = arith.constant 0 : index
    %get3A_2 = vector.load %arg2[%get3A, %get3A_0, %get3A_1] : memref<2x10240x16xf32, #tpu.memory_space<vmem>>, vector<1x10240x1xf32>
    %get3A_3 = vector.shape_cast %get3A_2 : vector<1x10240x1xf32> to vector<10240x1xf32>
    %get3A_4 = arith.constant 1 : index
    %get3A_5 = arith.constant 0 : index
    %get3A_6 = arith.constant 0 : index
    %get3A_7 = vector.load %arg2[%get3A_4, %get3A_5, %get3A_6] : memref<2x10240x16xf32, #tpu.memory_space<vmem>>, vector<1x10240x1xf32>
    %get3A_8 = vector.shape_cast %get3A_7 : vector<1x10240x1xf32> to vector<10240x1xf32>
    %add3A = arith.addf %get3A_3, %get3A_8 : vector<10240x1xf32>
    %add3A_9 = arith.constant 1.000000e+00 : f32
    %add3A_10 = vector.broadcast %add3A_9 : f32 to vector<10240x1xf32>
    %add3A_11 = arith.addf %add3A, %add3A_10 : vector<10240x1xf32>
    %rsqrt3A = math.rsqrt %add3A_11 : vector<10240x1xf32>
    %get3A_12 = arith.constant 0 : index
    %get3A_13 = arith.constant 0 : index
    %get3A_14 = arith.constant 0 : index
    %get3A_15 = vector.load %arg0[%get3A_12, %get3A_13, %get3A_14] : memref<2x10240x128xf32, #tpu.memory_space<vmem>>, vector<1x10240x128xf32>
    %get3A_16 = vector.shape_cast %get3A_15 : vector<1x10240x128xf32> to vector<10240x128xf32>
    %get3A_17 = arith.constant 1 : index
    %get3A_18 = arith.constant 0 : index
    %get3A_19 = arith.constant 0 : index
    %get3A_20 = vector.load %arg0[%get3A_17, %get3A_18, %get3A_19] : memref<2x10240x128xf32, #tpu.memory_space<vmem>>, vector<1x10240x128xf32>
    %get3A_21 = vector.shape_cast %get3A_20 : vector<1x10240x128xf32> to vector<10240x128xf32>
    %add3A_22 = arith.addf %get3A_16, %get3A_21 : vector<10240x128xf32>
    %mul3A = vector.broadcast %rsqrt3A : vector<10240x1xf32> to vector<10240x128xf32>
    %mul3A_23 = arith.mulf %mul3A, %add3A_22 : vector<10240x128xf32>
    %mul3A_24 = arith.mulf %rsqrt3A, %rsqrt3A : vector<10240x1xf32>
    %get3A_25 = arith.constant 0 : index
    %get3A_26 = arith.constant 0 : index
    %get3A_27 = vector.load %arg1[%get3A_25, %get3A_26] : memref<10240x128xf32, #tpu.memory_space<vmem>>, vector<10240x128xf32>
    %mul3A_28 = vector.broadcast %mul3A_24 : vector<10240x1xf32> to vector<10240x128xf32>
    %mul3A_29 = arith.mulf %mul3A_28, %get3A_27 : vector<10240x128xf32>
    %add3A_30 = arith.addf %mul3A_23, %mul3A_29 : vector<10240x128xf32>
    %get3A_31 = arith.constant 0 : index
    %get3A_32 = arith.constant 0 : index
    %get3A_33 = vector.load %arg3[%get3A_31, %get3A_32] : memref<1x128xf32, #tpu.memory_space<vmem>>, vector<1x128xf32>
    %add3A_34 = vector.broadcast %get3A_33 : vector<1x128xf32> to vector<10240x128xf32>
    %add3A_35 = arith.addf %add3A_30, %add3A_34 : vector<10240x128xf32>
    %max3A = arith.constant 0.000000e+00 : f32
    %max3A_36 = vector.broadcast %max3A : f32 to vector<10240x128xf32>
    %max3A_37 = arith.maximumf %add3A_35, %max3A_36 : vector<10240x128xf32>
    %iota3A = tpu.iota {dimensions = array<i32: 1>} : vector<1x64xi32>
    %convert_element_type3A = arith.sitofp %iota3A : vector<1x64xi32> to vector<1x64xf32>
    %get3A_38 = arith.constant 0 : index
    %get3A_39 = arith.constant 0 : index
    %get3A_40 = vector.load %arg4[%get3A_38, %get3A_39] : memref<10240x1xf32, #tpu.memory_space<vmem>>, vector<10240x1xf32>
    %eq3A = vector.broadcast %get3A_40 : vector<10240x1xf32> to vector<10240x64xf32>
    %eq3A_41 = vector.broadcast %convert_element_type3A : vector<1x64xf32> to vector<10240x64xf32>
    %eq3A_42 = arith.cmpf oeq, %eq3A, %eq3A_41 : vector<10240x64xf32>
    %convert_element_type3A_43 = arith.extui %eq3A_42 : vector<10240x64xi1> to vector<10240x64xi32>
    %convert_element_type3A_44 = arith.sitofp %convert_element_type3A_43 : vector<10240x64xi32> to vector<10240x64xf32>
    %dot_general3A = arith.constant dense<0.000000e+00> : vector<64x128xf32>
    %dot_general3A_45 = tpu.matmul %convert_element_type3A_44, %max3A_37, %dot_general3A {dimension_numbers = #tpu.dot_dimension_numbers<[0], [0], [1], [1], [0, 1, 1, 1], [], []>, transpose_lhs_hint = false} : vector<10240x64xf32>, vector<10240x128xf32>, vector<64x128xf32> -> vector<64x128xf32>
    %reduce_sum3A = arith.constant dense<0.000000e+00> : vector<64xf32>
    %reduce_sum3A_46 = vector.multi_reduction <add>, %convert_element_type3A_44, %reduce_sum3A [0] : vector<10240x64xf32> to vector<64xf32>
    %broadcast_in_dim3A = vector.shape_cast %reduce_sum3A_46 : vector<64xf32> to vector<64x1xf32>
    %max3A_47 = arith.constant 1.000000e+00 : f32
    %max3A_48 = vector.broadcast %max3A_47 : f32 to vector<64x1xf32>
    %max3A_49 = arith.maximumf %broadcast_in_dim3A, %max3A_48 : vector<64x1xf32>
    %div3A = vector.broadcast %max3A_49 : vector<64x1xf32> to vector<64x128xf32>
    %div3A_50 = arith.divf %dot_general3A_45, %div3A : vector<64x128xf32>
    %get3A_51 = arith.constant 0 : index
    %get3A_52 = arith.constant 0 : index
    %get3A_53 = vector.load %arg5[%get3A_51, %get3A_52] : memref<128x10xf32, #tpu.memory_space<vmem>>, vector<128x10xf32>
    %dot_general3A_54 = arith.constant dense<0.000000e+00> : vector<64x10xf32>
    %dot_general3A_55 = tpu.matmul %div3A_50, %get3A_53, %dot_general3A_54 {dimension_numbers = #tpu.dot_dimension_numbers<[1], [0], [0], [1], [0, 0, 1, 1], [], []>, transpose_lhs_hint = false} : vector<64x128xf32>, vector<128x10xf32>, vector<64x10xf32> -> vector<64x10xf32>
    %get3A_56 = arith.constant 0 : index
    %get3A_57 = arith.constant 0 : index
    %get3A_58 = vector.load %arg6[%get3A_56, %get3A_57] : memref<1x10xf32, #tpu.memory_space<vmem>>, vector<1x10xf32>
    %add3A_59 = vector.broadcast %get3A_58 : vector<1x10xf32> to vector<64x10xf32>
    %add3A_60 = arith.addf %dot_general3A_55, %add3A_59 : vector<64x10xf32>
    %swap3A = arith.constant 0 : index
    %swap3A_61 = arith.constant 0 : index
    %swap3A_62 = vector.load %arg7[%swap3A, %swap3A_61] : memref<64x10xf32, #tpu.memory_space<vmem>>, vector<64x10xf32>
    tpu.vector_store %arg7[%swap3A, %swap3A_61], %add3A_60 {strides = array<i32>} : memref<64x10xf32, #tpu.memory_space<vmem>>, vector<64x10xf32>,
    return
  }
}

</mosaic_0001>

<sc_bundles>
// kernel: kernel.12.cloned.1.call-start
scs
__scs_entry_jumppad:
0x0: {  	(pc) =	sbr.rel $0x88, $3  }
0x1: {  	(tag) =	ssettag $0x0;
	lr =	simm.s32 $0x1  }
0x2: {  	[smem:$0x3F98] =	sst lr;
	_ =	strace $0xD0000000  }
0x3: {  	_ = 	snop  }
0x4: {  	_ = 	snop  }
0x5: {  	_ = 	snop  }
0x6: {  	_ = 	snop  }
0x7: {  	_ = 	snop  }
__scs_overlays_trampoline_lowered:
0x8: {  	[smem:$0x3FA7] =	sst s0  }
0x9: {  	[smem:$0x3FA8] =	sst s1  }
0xa: {  	[smem:$0x3FA9] =	sst s2  }
0xb: {  	[smem:$0x3FAA] =	sst s3  }
0xc: {  	[smem:$0x3FAB] =	sst s4  }
0xd: {  	[smem:$0x3FAC] =	sst s5  }
0xe: {  	[smem:$0x3FAD] =	sst s6  }
0xf: {  	[smem:$0x3FAE] =	sst s7  }
0x10: {  	[smem:$0x3FAF] =	sst s8  }
0x11: {  	[smem:$0x3FB0] =	sst s9;
	s0 =	simm.s32 @!p0 $0x0  }
0x12: {  	s1 =	sld [smem:$0x3F96];
	s0 =	simm.s32 @p0 $0x1  }
0x13: {  	[smem:$0x3FB1] =	sst s0;
	s0 =	simm.s32 @!p1 $0x0  }
0x14: {  	s2 =	sld [smem:$0x3F95];
	s0 =	simm.s32 @p1 $0x1  }
0x15: {  	[smem:$0x3FB2] =	sst s0;
	s0 =	simm.s32 @!p2 $0x0  }
0x16: {  	s3 =	sld [smem:$0x3FDB];
	s0 =	simm.s32 @p2 $0x1  }
0x17: {  	s4 =	simm.s32 $0x1BF5;
	[smem:$0x3FB4] =	sst s0  }
0x18: {  	s0 =	sld [smem:$0x3F97];
	_ =	swait.ge [sflag:s4], $0x0  }
0x19: {  	s7 =	sld [smem:$0x3F98]  }
0x1a: {  	s8 =	sadd.s32 $0xFFFFE003, lr  }
0x1b: {  	s9 =	sadd.s32 $0xFFFFFEF7, lr;
	s5 =	simm.s32 $0xFFFFFFFF;
	p2 =	slt.u32 s8, $0xFFFFF086  }
0x1c: {  	p1 =	slt.u32 s9, $0xF7A;
	s5 =	simm.s32 @!p2 $0x0  }
0x1d: {  	s5 =	simm.s32 @p1 $0x1;
	p0 =	seq.s32 s7, s2  }
0x1e: {  	s7 =	smul.u32 @!p0 $0xF7A, s2;
	p2 =	seq.s32 @!p0 s5, $0x0  }
0x1f: {  	s9 =	smul.u32 $0xF7A, s1;
	s8 =	simm.s32 @!p0 $0x1BF5;
	p2 =	por !p2, p0  }
0x20: {  	[sflag:s8] =	ssyncset.s32 @!p0 $0xFFFFF086;
	s6 =	sadd.s32 @!p0 s3, s7;
	s7 =	simm.s32 @!p0 $0x108  }
0x21: {  	s3 =	sadd.s32 s3, s9;
	s6 =	sadd.s32 @!p0 $0x88, s6;
	s7 =	simm.s32 @p2 $0x1082  }
0x22: {  	[simem:s7], [sflag:s8] =	dma.local @!p0 [hbm:s6], $0xF7A  }
0x23: {  	s9 =	sor.u32 $0xD0000000, s2;
	s6 =	simm.s32 $0x108;
	_ =	swait.ge @!p0 [sflag:s8], $0x0  }
0x24: {  	s3 =	sadd.s32 $0x88, s3;
	s6 =	simm.s32 @!p1 $0x1082;
	[sflag:s4] =	ssyncset.s32 $0xFFFFF086  }
0x25: {  	[simem:s6], [sflag:s4] =	dma.local [hbm:s3], $0xF7A  }
0x26: {  	[smem:$0x3F98] =	sst s1;
	(tag) =	ssettag s2;
	_ =	strace s9  }
0x27: {  	s1 =	sld [smem:$0x3FA8]  }
0x28: {  	s2 =	sld [smem:$0x3FA9]  }
0x29: {  	s4 =	sld [smem:$0x3FAB]  }
0x2a: {  	p0 =	seq.s32 s5, $0x0;
	s5 =	sld [smem:$0x3FAC]  }
0x2b: {  	s6 =	sld [smem:$0x3FAD]  }
0x2c: {  	s7 =	sld [smem:$0x3FAE]  }
0x2d: {  	s3 =	simm.s32 $0x108;
	s8 =	sld [smem:$0x3FAF]  }
0x2e: {  	s3 =	simm.s32 @!p0 $0x1082;
	s9 =	sld [smem:$0x3FB0]  }
0x2f: {  	lr =	sadd.s32 s0, s3;
	s0 =	sld [smem:$0x3FA7]  }
0x30: {  	s3 =	sld [smem:$0x3FAA]  }
0x31: {  	[smem:$0x3FB3] =	sst s10  }
0x32: {  	s10 =	sld [smem:$0x3FB1];
	_ =	sdelay $0x3  }
0x33: {  	p0 =	seq.s32 s10, $0x1;
	s10 =	sld [smem:$0x3FB3];
	_ =	sdelay $0x3  }
0x34: {  	[smem:$0x3FB3] =	sst s10  }
0x35: {  	s10 =	sld [smem:$0x3FB2];
	_ =	sdelay $0x3  }
0x36: {  	p1 =	seq.s32 s10, $0x1;
	s10 =	sld [smem:$0x3FB3];
	_ =	sdelay $0x3  }
0x37: {  	[smem:$0x3FB3] =	sst s10  }
0x38: {  	s10 =	sld [smem:$0x3FB4]  }
0x39: {  	_ = 	snop;
	(pc) =	sbr.ind lr, $3  }
0x3a: {  	_ = 	snop  }
0x3b: {  	_ = 	snop  }
0x3c: {  	p2 =	seq.s32 s10, $0x1;
	s10 =	sld [smem:$0x3FB3]  }
0x3d: {  	_ =	shalt  }
0x3e: {  	_ =	shalt  }
0x3f: {  	_ =	shalt  }
0x40: {  	_ =	shalt  }
0x41: {  	_ =	shalt  }
0x42: {  	_ =	shalt  }
0x43: {  	_ =	shalt  }
0x44: {  	_ =	shalt  }
0x45: {  	_ =	shalt  }
0x46: {  	_ =	shalt  }
0x47: {  	_ =	shalt  }
0x48: {  	_ =	shalt  }
0x49: {  	_ =	shalt  }
0x4a: {  	_ =	shalt  }
0x4b: {  	_ =	shalt  }
0x4c: {  	_ =	shalt  }
0x4d: {  	_ =	shalt  }
0x4e: {  	_ =	shalt  }
0x4f: {  	_ =	shalt  }
0x50: {  	_ =	shalt  }
0x51: {  	_ =	shalt  }
0x52: {  	_ =	shalt  }
0x53: {  	_ =	shalt  }
0x54: {  	_ =	shalt  }
0x55: {  	_ =	shalt  }
0x56: {  	_ =	shalt  }
0x57: {  	_ =	shalt  }
0x58: {  	_ =	shalt  }
0x59: {  	_ =	shalt  }
0x5a: {  	_ =	shalt  }
0x5b: {  	_ =	shalt  }
0x5c: {  	_ =	shalt  }
0x5d: {  	_ =	shalt  }
0x5e: {  	_ =	shalt  }
0x5f: {  	_ =	shalt  }
0x60: {  	_ =	shalt  }
0x61: {  	_ =	shalt  }
0x62: {  	_ =	shalt  }
0x63: {  	_ =	shalt  }
0x64: {  	_ =	shalt  }
0x65: {  	_ =	shalt  }
0x66: {  	_ =	shalt  }
0x67: {  	_ =	shalt  }
0x68: {  	_ =	shalt  }
0x69: {  	_ =	shalt  }
0x6a: {  	_ =	shalt  }
0x6b: {  	_ =	shalt  }
0x6c: {  	_ =	shalt  }
0x6d: {  	_ =	shalt  }
0x6e: {  	_ =	shalt  }
0x6f: {  	_ =	shalt  }
0x70: {  	_ =	shalt  }
0x71: {  	_ =	shalt  }
0x72: {  	_ =	shalt  }
0x73: {  	_ =	shalt  }
0x74: {  	_ =	shalt  }
0x75: {  	_ =	shalt  }
0x76: {  	_ =	shalt  }
0x77: {  	_ =	shalt  }
0x78: {  	_ =	shalt  }
0x79: {  	_ =	shalt  }
0x7a: {  	_ =	shalt  }
0x7b: {  	_ =	shalt  }
0x7c: {  	_ =	shalt  }
0x7d: {  	_ =	shalt  }
0x7e: {  	_ =	shalt  }
0x7f: {  	_ =	shalt  }
0x80: {  	_ =	shalt  }
0x81: {  	_ =	shalt  }
0x82: {  	_ =	shalt  }
0x83: {  	_ =	shalt  }
0x84: {  	_ =	shalt  }
0x85: {  	_ =	shalt  }
0x86: {  	_ =	shalt  }
0x87: {  	_ =	shalt  }
.Lfunc_end0:
.L_simem_size_0:
called_computation.1_lowered:
.L_overlay_start_0:
0x88: {  	s2 =	sld [smem:$0x3FD9]  }
0x89: {  	s3 =	sld [smem:$0x3FFE];
	_ =	sdelay $0x1  }
0x8a: {  	s1 =	srdreg.scid  }
0x8b: {  	s0 =	sand.u32 $0x1, s1  }
0x8c: {  	s16 =	sshll.u32 s0, $0xA;
	s2 =	sadd.s32 s3, s2  }
0x8d: {  	s2 =	sadd.s32 s2, s16  }
0x8e: {  	[smem:$0x3FBF] =	sst s2  }
0x8f: {  	_ = 	snop  }
0x90: {  	(tm) =	ssettm $0x1  }
0x91: {  	s17 =	sld [smem:$0x3FFB];
	_ =	sdelay $0x3  }
0x92: {  	_ =	strace s17  }
0x93: {  	s2 =	sld [smem:$0x3FFC];
	_ =	sdelay $0x3  }
0x94: {  	_ =	strace s2  }
0x95: {  	s2 =	sld [smem:$0x3FFD];
	_ =	sdelay $0x3  }
0x96: {  	_ =	strace s2  }
0x97: {  	_ =	strace $0x8FFFFFFF  }
0x98: {  	s18 =	sld [smem:$0x3FDB];
	_ =	sdelay $0x1  }
0x99: {  	s19 =	simm.s32 $_scs_section_size  }
0x9a: {  	s4 =	simm.s32 $_size__tile_overlayer_lowered;
	s5 =	simm.s32 $_tile_overlayer_lowered  }
0x9b: {  	s22 =	simm.s32 $0x1BFF;
	s21 =	sshll.u32 s5, $0x1;
	s2 =	sadd.s32 s19, s18  }
0x9c: {  	s6 =	simm.s32 $0x0;
	s20 =	sshll.u32 s4, $0x1;
	s4 =	sadd.s32 s21, s2  }
0x9d: {  	[timem:s6], [sflag:s22] =	dma.local [hbm:s4], s20  }
0x9e: {  	_ =	swait.ge [sflag:s22], s20  }
0x9f: {  	s3 =	ssub.s32 $0x0, s20;
	[sflag:s22] =	ssyncset.done $0x0  }
0xa0: {  	[sflag:s22] =	ssyncadd.s32 s3;
	_ =	sdelay $0x1  }
0xa1: {  	s23 =	simm.s32 $0x1B8B  }
0xa2: {  	_ =	swait.ge [sflag:s23], $0x1  }
0xa3: {  	[sflag:s23] =	ssyncset.done $0x0  }
0xa4: {  	s25 =	simm.s32 $0x1B8E;
	s24 =	sld [smem:$0x3FFE];
	[sflag:s23] =	ssyncadd.s32 $0xFFFFFFFF  }
0xa5: {  	s26 =	simm.s32 $execute0_lowered;
	[smem:$0x3FD2] =	sst s25  }
0xa6: {  	s4 =	sshll.u32 s26, $0x1;
	_ =	strace $0x80000049;
	[dreg:$0x1] =	wrdreg $0xFFFFFFFF  }
0xa7: {  	s28 =	simm.s32 $_size_execute0_lowered;
	s2 =	sadd.s32 s2, s4;
	[dreg:$0x0] =	wrdreg $0x0  }
0xa8: {  	s4 =	sshll.u32 s28, $0x1;
	[dreg:$0x2] =	wrdreg s2  }
0xa9: {  	[dreg:$0x3] =	wrdreg s4  }
0xaa: {  	[dreg:$0x4] =	wrdreg $0xC0  }
0xab: {  	_ =	task [dreg:s6], $0x5FFFF  }
0xac: {  	[dreg:$0x1] =	wrdreg $0xFFFFFFFF  }
0xad: {  	[dreg:$0x0] =	wrdreg $0x60  }
0xae: {  	[dreg:$0x2] =	wrdreg s24  }
0xaf: {  	[dreg:$0x3] =	wrdreg $0x90000  }
0xb0: {  	[dreg:$0x4] =	wrdreg $0x9  }
0xb1: {  	_ =	task.clear_ibuf [dreg:s6], $0x5FFFF;
	_ =	strace $0x90000049  }
0xb2: {  	s29 =	simm.s32 $0x9;
	_ =	strace $0x8000004B  }
0xb3: {  	_ =	swait.ge [sflag:s29], $0x1  }
0xb4: {  	[sflag:s29] =	ssyncadd.s32 $0xFFFFFFFF  }
0xb5: {  	_ =	strace $0x9000004B  }
0xb6: {  	_ =	sfence  }
0xb7: {  	s30 =	sld [smem:$0x0];
	_ =	sdelay $0x2  }
0xb8: {  	s31 =	sshll.u32 s1, $0xD;
	s1 =	sshrl.u32 s1, $0x2  }
0xb9: {  	s3 =	sand.u32 $0x4000, s31;
	s1 =	sadd.s32 s1, s30  }
0xba: {  	s0 =	sor.u32 s3, s0;
	s1 =	sshll.u32 s1, $0x11  }
0xbb: {  	s0 =	sor.u32 s1, s0  }
0xbc: {  	s0 =	sadd.s32 $0x8F2B, s0  }
0xbd: {  	[sflag:s0] =	ssyncadd.remote.s32 $0x1  }
0xbe: {  	_ =	sfence.sel $0xFFFF  }
0xbf: {  	[dreg:$0x0] =	wrdreg $0xFFFFFFFF;
	(pc) =	sbr.abs _section_cstart, $3  }
0xc0: {  	[dreg:$0x1] =	wrdreg $0xFFFFFFFF  }
0xc1: {  	_ =	task.clear_ibuf [dreg:s6], $0x2FFFF;
	_ =	strace $0x9FFFFFFF  }
0xc2: {  	(tm) =	ssettm $0x7FFFFFFF  }
0xc3: {  	_ =	shalt  }
tec
execute0_lowered:
.L_overlay_start_1:
0x0: {  	(tag) =	ssettag $0x1  }
0x1: {  	s1 =	srdreg.scid;
	s5 =	rddreg [dreg:$0x0]  }
0x2: {  	s0 =	stileid.u32;
	s2 =	rddreg [dreg:$0x1];
	s3 =	simm.s32 $0x0  }
0x3: {  	s6 =	sand.u32 $0x1, s1;
	s1 =	rddreg [dreg:$0x2];
	s8 =	smul.u32 $0x50000, s0  }
0x4: {  	s23 =	sshll.u32 s0, $0x1;
	[smem:$0x7FF] =	sst s3;
	s15 =	smul.u32 $0x14000, s0  }
0x5: {  	s17 =	sadd.s32 $0x8E400, s5;
	s4 =	sor.u32 s6, s23;
	s16 =	smul.u32 $0x140000, s6  }
0x6: {  	_ =	strace $0x8000004A;
	s6 =	ssub.s32 $0x2, s6;
	s7 =	smul.u32 $0x500, s4  }
0x7: {  	s4 =	sadd.s32 $0x66400, s5;
	s24 =	sshrl.u32 s6, $0x1;
	s25 =	sshrl.u32 s8, $0x2  }
0x8: {  	s18 =	sadd.s32 $0x4000, s15;
	s19 =	sadd.s32 $0x8000, s15;
	s20 =	sadd.s32 $0xC000, s15  }
0x9: {  	s23 =	sadd.s32 $0x10000, s15;
	s9 =	ssub.s32 s6, s24;
	s26 =	sadd.s32 s16, s15  }
0xa: {  	s13 =	sadd.s32 s16, s18;
	s22 =	sadd.s32 s18, s2;
	s28 =	sadd.s32 s16, s19  }
0xb: {  	s21 =	sadd.s32 s16, s20;
	s30 =	sadd.s32 s16, s23;
	s24 =	sadd.s32 s19, s2  }
0xc: {  	s19 =	simm.s32 $0x1;
	s7 =	sadd.s32 s7, s5;
	s5 =	sadd.s32 s25, s2  }
0xd: {  	s8 =	sshrl.u32 s26, $0x3;
	s9 =	smax.u32 s9, $0x1;
	s14 =	sshrl.u32 s13, $0x3  }
0xe: {  	s18 =	sshrl.u32 s28, $0x3;
	s29 =	sshrl.u32 s21, $0x3;
	s31 =	sshrl.u32 s30, $0x3  }
0xf: {  	s25 =	sadd.s32 s20, s2;
	s26 =	sadd.s32 s23, s2;
	s20 =	simm.s32 $0x2800  }
0x10: {  	s21 =	simm.s32 $0x80;
	s22 =	sshrl.u32 s22, $0x3;
	s23 =	sshrl.u32 s24, $0x3  }
0x11: {  	s6 =	sadd.s32 $0x5C400, s7;
	s7 =	sadd.s32 $0x2400, s7;
	s8 =	sadd.s32 s17, s8  }
0x12: {  	s10 =	sadd.s32 $0x4000, s5;
	s11 =	sadd.s32 $0x8000, s5;
	s12 =	sadd.s32 $0xC000, s5  }
0x13: {  	s13 =	sadd.s32 $0x10000, s5;
	s14 =	sadd.s32 s17, s14;
	s15 =	sadd.s32 s17, s18  }
0x14: {  	s16 =	sadd.s32 s17, s29;
	s17 =	sadd.s32 s17, s31;
	s18 =	simm.s32 $0x5000  }
0x15: {  	v0 =	vimm.f32 $0.0e+00;
	s24 =	sshrl.u32 s25, $0x3;
	s25 =	sshrl.u32 s26, $0x3;
	s26 =	simm.s32 $0x0  }
.LBB2_1:
0x16: {  	s28 =	sand.u32 $0xFE00, s3  }
0x17: {  	s29 =	sand.u32 $0x70, s3;
	s30 =	sshrl.u32 s28, $0x2  }
0x18: {  	s28 =	simm.s32 $0x40;
	s30 =	sor.u32 s29, s30;
	s29 =	simm.s32 $0x0  }
.LBB2_2:
0x19: {  	p0 =	sne.s32 s28, $0xFFC0  }
0x1a: {  	[tilespmem:s30+$0x5000] =	vst v0;
	s29 =	sadd.s32 $0x10, s29;
	s30 =	smov.u32 s28;
	s28 =	sadd.s32 $0x40, s28  }
.Ltmp0:
0x1b: {  	(pc) =	sbr.rel @p0 .LBB2_2-.Ltmp0, $4  }
0x1c: {  	_ = 	snop  }
0x1d: {  	s30 =	sand.u32 $0xFE00, s30  }
0x1e: {  	s31 =	sand.u32 $0x70, s29;
	s30 =	sshrl.u32 s30, $0x2  }
0x1f: {  	s30 =	sor.u32 s31, s30  }
0x20: {  	[tilespmem:s30+$0x5000] =	vst v0  }
0x21: {  	[spmem:s5] =	stream.linear.scatter [tilespmem:s18], [sflag:$0x1], $0x4000, $0x38;
	[tilespmem:$0x1D000] =	vst v63  }
0x22: {  	_ =	swait.ge [sflag:s19], $0x4000  }
0x23: {  	[sflag:s19] =	ssyncset.done $0x0  }
0x24: {  	[sflag:s19] =	ssyncadd.s32 $0xFFFFC000  }
0x25: {  	[spmem:s10] =	stream.linear.scatter [tilespmem:s18], [sflag:$0x1], $0x4000, $0x38;
	[tilespmem:$0x1D000] =	vst v63  }
0x26: {  	_ =	swait.ge [sflag:s19], $0x4000  }
0x27: {  	[sflag:s19] =	ssyncset.done $0x0  }
0x28: {  	[sflag:s19] =	ssyncadd.s32 $0xFFFFC000  }
0x29: {  	[spmem:s11] =	stream.linear.scatter [tilespmem:s18], [sflag:$0x1], $0x4000, $0x38;
	[tilespmem:$0x1D000] =	vst v63  }
0x2a: {  	_ =	swait.ge [sflag:s19], $0x4000  }
0x2b: {  	[sflag:s19] =	ssyncset.done $0x0  }
0x2c: {  	[sflag:s19] =	ssyncadd.s32 $0xFFFFC000  }
0x2d: {  	[spmem:s12] =	stream.linear.scatter [tilespmem:s18], [sflag:$0x1], $0x4000, $0x38;
	[tilespmem:$0x1D000] =	vst v63  }
0x2e: {  	_ =	swait.ge [sflag:s19], $0x4000  }
0x2f: {  	[sflag:s19] =	ssyncset.done $0x0  }
0x30: {  	[sflag:s19] =	ssyncadd.s32 $0xFFFFC000  }
0x31: {  	[spmem:s13] =	stream.linear.scatter [tilespmem:s18], [sflag:$0x1], $0x4000, $0x38;
	[tilespmem:$0x1D000] =	vst v63  }
0x32: {  	_ =	swait.ge [sflag:s19], $0x4000  }
0x33: {  	[sflag:s19] =	ssyncset.done $0x0  }
0x34: {  	[sflag:s19] =	ssyncadd.s32 $0xFFFFC000  }
0x35: {  	s28 =	simm.s32 $0x0;
	[bflag:$0x0] =	sbarrier.arrive $0xFFFF  }
0x36: {  	[tilespmem:s28], [sflag:$0x1] =	stream.linear.gather [hbm4b:s6+s28], $0x2780, $0x38;
	[tilespmem:$0x1D000] =	vst v63  }
0x37: {  	_ =	swait.ge [sflag:s19], $0x2780  }
0x38: {  	[sflag:s19] =	ssyncset.done $0x0  }
0x39: {  	[sflag:s19] =	ssyncadd.s32 $0xFFFFD880  }
0x3a: {  	[tilespmem:s20], [sflag:$0x1] =	stream.linear.gather [hbm4b:s7+s28], $0x2780, $0x38;
	[tilespmem:$0x1D000] =	vst v63  }
0x3b: {  	_ =	swait.ge [sflag:s19], $0x2780  }
0x3c: {  	[sflag:s19] =	ssyncset.done $0x0  }
0x3d: {  	s28 =	simm.s32 $0x0;
	[sflag:s19] =	ssyncadd.s32 $0xFFFFD880  }
0x3e: {  	[tilespmem:s18], [sflag:$0x1] =	stream.indirect.gather [hbm4b:s4+s21], $0x80, s28, s21, $0xb8;
	[tilespmem:$0x1D000] =	vst v63  }
0x3f: {  	_ =	swait.ge [sflag:s19], $0x4000  }
0x40: {  	[sflag:s19] =	ssyncset.done $0x0  }
0x41: {  	s28 =	simm.s32 $0x2800;
	[sflag:s19] =	ssyncadd.s32 $0xFFFFC000  }
0x42: {  	[spmem:s2] =	stream.indirect.scatter.add.f32 [tilespmem:s18], [sflag:$0x1], $0x80, s28, s21, $0xb8;
	[tilespmem:$0x1D000] =	vst v63  }
0x43: {  	_ =	swait.ge [sflag:s19], $0x4000  }
0x44: {  	s29 =	simm.s32 $0x400;
	s28 =	simm.s32 $0x200;
	[sflag:s19] =	ssyncset.done $0x0  }
.LBB2_4:
0x45: {  	s30 =	sshra.s32 s28, $0x2  }
0x46: {  	[sflag:s19] =	ssyncadd.s32 $0xFFFFC000;
	s28 =	smov.u32 s29;
	s31 =	sadd.s32 $0x200, s29  }
0x47: {  	[tilespmem:s18], [sflag:$0x1] =	stream.indirect.gather [hbm4b:s4+s21], $0x80, s30, s21, $0xb8;
	[tilespmem:$0x1D000] =	vst v63  }
0x48: {  	p0 =	sne.s32 s29, $0x9C00;
	_ =	swait.ge [sflag:s19], $0x4000  }
.Ltmp1:
0x49: {  	[sflag:s19] =	ssyncset.done $0x0;
	(pc) =	sbr.rel @p0 .LBB2_4-.Ltmp1, $4  }
0x4a: {  	s29 =	sadd.s32 $0x2800, s30;
	[sflag:s19] =	ssyncadd.s32 $0xFFFFC000  }
0x4b: {  	[spmem:s2] =	stream.indirect.scatter.add.f32 [tilespmem:s18], [sflag:$0x1], $0x80, s29, s21, $0xb8;
	[tilespmem:$0x1D000] =	vst v63  }
0x4c: {  	_ =	swait.ge [sflag:s19], $0x4000  }
0x4d: {  	s29 =	smov.u32 s31;
	[sflag:s19] =	ssyncset.done $0x0  }
0x4e: {  	s28 =	sshra.s32 s28, $0x2;
	[sflag:s19] =	ssyncadd.s32 $0xFFFFC000  }
0x4f: {  	[tilespmem:s18], [sflag:$0x1] =	stream.indirect.gather [hbm4b:s4+s21], $0x80, s28, s21, $0xb8;
	[tilespmem:$0x1D000] =	vst v63  }
0x50: {  	_ =	swait.ge [sflag:s19], $0x4000  }
0x51: {  	[sflag:s19] =	ssyncset.done $0x0  }
0x52: {  	s28 =	sadd.s32 $0x2800, s28;
	[sflag:s19] =	ssyncadd.s32 $0xFFFFC000  }
0x53: {  	[spmem:s2] =	stream.indirect.scatter.add.f32 [tilespmem:s18], [sflag:$0x1], $0x80, s28, s21, $0xb8;
	[tilespmem:$0x1D000] =	vst v63  }
0x54: {  	_ =	swait.ge [sflag:s19], $0x4000  }
0x55: {  	[sflag:s19] =	ssyncset.done $0x0  }
0x56: {  	s31 =	sshll.u32 s0, $0x6;
	[sflag:s19] =	ssyncadd.s32 $0xFFFFC000  }
0x57: {  	s29 =	sshrl.u32 s5, $0x3;
	s28 =	sor.u32 $0x1C01, s31;
	[bflag:$0x0] =	sbarrier.arrive $0xFFFF  }
0x58: {  	[hbm:s8], [sflag:s28] =	dma.local [spmem:s29], $0x800  }
0x59: {  	_ =	swait.ge [sflag:s19], $0x800  }
0x5a: {  	[sflag:s19] =	ssyncset.done $0x0  }
0x5b: {  	[sflag:s19] =	ssyncadd.s32 $0xFFFFF800  }
0x5c: {  	[hbm:s14], [sflag:s28] =	dma.local [spmem:s22], $0x800  }
0x5d: {  	_ =	swait.ge [sflag:s19], $0x800  }
0x5e: {  	[sflag:s19] =	ssyncset.done $0x0  }
0x5f: {  	[sflag:s19] =	ssyncadd.s32 $0xFFFFF800  }
0x60: {  	[hbm:s15], [sflag:s28] =	dma.local [spmem:s23], $0x800  }
0x61: {  	_ =	swait.ge [sflag:s19], $0x800  }
0x62: {  	[sflag:s19] =	ssyncset.done $0x0  }
0x63: {  	[sflag:s19] =	ssyncadd.s32 $0xFFFFF800  }
0x64: {  	[hbm:s16], [sflag:s28] =	dma.local [spmem:s24], $0x800  }
0x65: {  	s26 =	sadd.s32 $0x1, s26;
	_ =	swait.ge [sflag:s19], $0x800  }
0x66: {  	p0 =	sne.s32 s26, s9;
	[sflag:s19] =	ssyncset.done $0x0  }
.Ltmp2:
0x67: {  	[sflag:s19] =	ssyncadd.s32 $0xFFFFF800;
	(pc) =	sbr.rel @p0 .LBB2_1-.Ltmp2, $4  }
0x68: {  	[hbm:s17], [sflag:s28] =	dma.local [spmem:s25], $0x800  }
0x69: {  	_ =	swait.ge [sflag:s19], $0x800  }
0x6a: {  	[sflag:s19] =	ssyncset.done $0x0  }
0x6b: {  	[sflag:s19] =	ssyncadd.s32 $0xFFFFF800  }
0x6c: {  	_ =	sfence.sel $0x180000  }
0x6d: {  	[bflag:$0x0] =	sbarrier.arrive $0xFFFF  }
0x6e: {  	p0 =	sne.s32 s0, $0x0;
	_ =	strace $0x9000004A  }
0x6f: {  	s0 =	sadd.s32 @!p0 $0x100000, s1;
	[bflag:$0x2] =	sbarrier.arrive $0xFFFF  }
0x70: {  	[sflag:s0] =	ssyncadd.tile.s32 @!p0 $0x1;
	_ =	shalt  }
.Lfunc_end2:
_tile_overlayer_lowered:
.L_overlay_start_2:
0x71: {  	(tag) =	ssettag $0x2  }
0x72: {  	s0 =	rddreg [dreg:$0x0];
	s2 =	stileid.u32  }
0x73: {  	s1 =	rddreg [dreg:$0x1];
	p0 =	sne.s32 s2, $0x0  }
0x74: {  	s3 =	rddreg [dreg:$0x2];
	[bflag:$0x3] =	sbarrier.arrive $0xFFFF;
	s2 =	simm.s32 @!p0 $0x1C01  }
0x75: {  	[timem:s3], [sflag:s2] =	dma.local @!p0 [hbm:s0], s1  }
0x76: {  	s0 =	simm.s32 @!p0 $0x1  }
0x77: {  	_ =	swait.ge @!p0 [sflag:s0], s1  }
0x78: {  	s1 =	ssub.s32 @!p0 $0x0, s1;
	[sflag:s0] =	ssyncset.done @!p0 $0x0  }
0x79: {  	[sflag:s0] =	ssyncadd.s32 @!p0 s1  }
0x7a: {  	[bflag:$0x3] =	sbarrier.arrive $0xFFFF  }
0x7b: {  	_ =	shalt  }

// kernel: kernel.15.cloned.1.call-start
scs
__scs_entry_jumppad:
0x0: {  	(pc) =	sbr.rel $0x88, $3  }
0x1: {  	(tag) =	ssettag $0x0;
	lr =	simm.s32 $0x1  }
0x2: {  	[smem:$0x3F98] =	sst lr;
	_ =	strace $0xD0000000  }
0x3: {  	_ = 	snop  }
0x4: {  	_ = 	snop  }
0x5: {  	_ = 	snop  }
0x6: {  	_ = 	snop  }
0x7: {  	_ = 	snop  }
__scs_overlays_trampoline_lowered:
0x8: {  	[smem:$0x3FA7] =	sst s0  }
0x9: {  	[smem:$0x3FA8] =	sst s1  }
0xa: {  	[smem:$0x3FA9] =	sst s2  }
0xb: {  	[smem:$0x3FAA] =	sst s3  }
0xc: {  	[smem:$0x3FAB] =	sst s4  }
0xd: {  	[smem:$0x3FAC] =	sst s5  }
0xe: {  	[smem:$0x3FAD] =	sst s6  }
0xf: {  	[smem:$0x3FAE] =	sst s7  }
0x10: {  	[smem:$0x3FAF] =	sst s8  }
0x11: {  	[smem:$0x3FB0] =	sst s9;
	s0 =	simm.s32 @!p0 $0x0  }
0x12: {  	s1 =	sld [smem:$0x3F96];
	s0 =	simm.s32 @p0 $0x1  }
0x13: {  	[smem:$0x3FB1] =	sst s0;
	s0 =	simm.s32 @!p1 $0x0  }
0x14: {  	s2 =	sld [smem:$0x3F95];
	s0 =	simm.s32 @p1 $0x1  }
0x15: {  	[smem:$0x3FB2] =	sst s0;
	s0 =	simm.s32 @!p2 $0x0  }
0x16: {  	s3 =	sld [smem:$0x3FDB];
	s0 =	simm.s32 @p2 $0x1  }
0x17: {  	s4 =	simm.s32 $0x1BF5;
	[smem:$0x3FB4] =	sst s0  }
0x18: {  	s0 =	sld [smem:$0x3F97];
	_ =	swait.ge [sflag:s4], $0x0  }
0x19: {  	s7 =	sld [smem:$0x3F98]  }
0x1a: {  	s8 =	sadd.s32 $0xFFFFE003, lr  }
0x1b: {  	s9 =	sadd.s32 $0xFFFFFEF7, lr;
	s5 =	simm.s32 $0xFFFFFFFF;
	p2 =	slt.u32 s8, $0xFFFFF086  }
0x1c: {  	p1 =	slt.u32 s9, $0xF7A;
	s5 =	simm.s32 @!p2 $0x0  }
0x1d: {  	s5 =	simm.s32 @p1 $0x1;
	p0 =	seq.s32 s7, s2  }
0x1e: {  	s7 =	smul.u32 @!p0 $0xF7A, s2;
	p2 =	seq.s32 @!p0 s5, $0x0  }
0x1f: {  	s9 =	smul.u32 $0xF7A, s1;
	s8 =	simm.s32 @!p0 $0x1BF5;
	p2 =	por !p2, p0  }
0x20: {  	[sflag:s8] =	ssyncset.s32 @!p0 $0xFFFFF086;
	s6 =	sadd.s32 @!p0 s3, s7;
	s7 =	simm.s32 @!p0 $0x108  }
0x21: {  	s3 =	sadd.s32 s3, s9;
	s6 =	sadd.s32 @!p0 $0x88, s6;
	s7 =	simm.s32 @p2 $0x1082  }
0x22: {  	[simem:s7], [sflag:s8] =	dma.local @!p0 [hbm:s6], $0xF7A  }
0x23: {  	s9 =	sor.u32 $0xD0000000, s2;
	s6 =	simm.s32 $0x108;
	_ =	swait.ge @!p0 [sflag:s8], $0x0  }
0x24: {  	s3 =	sadd.s32 $0x88, s3;
	s6 =	simm.s32 @!p1 $0x1082;
	[sflag:s4] =	ssyncset.s32 $0xFFFFF086  }
0x25: {  	[simem:s6], [sflag:s4] =	dma.local [hbm:s3], $0xF7A  }
0x26: {  	[smem:$0x3F98] =	sst s1;
	(tag) =	ssettag s2;
	_ =	strace s9  }
0x27: {  	s1 =	sld [smem:$0x3FA8]  }
0x28: {  	s2 =	sld [smem:$0x3FA9]  }
0x29: {  	s4 =	sld [smem:$0x3FAB]  }
0x2a: {  	p0 =	seq.s32 s5, $0x0;
	s5 =	sld [smem:$0x3FAC]  }
0x2b: {  	s6 =	sld [smem:$0x3FAD]  }
0x2c: {  	s7 =	sld [smem:$0x3FAE]  }
0x2d: {  	s3 =	simm.s32 $0x108;
	s8 =	sld [smem:$0x3FAF]  }
0x2e: {  	s3 =	simm.s32 @!p0 $0x1082;
	s9 =	sld [smem:$0x3FB0]  }
0x2f: {  	lr =	sadd.s32 s0, s3;
	s0 =	sld [smem:$0x3FA7]  }
0x30: {  	s3 =	sld [smem:$0x3FAA]  }
0x31: {  	[smem:$0x3FB3] =	sst s10  }
0x32: {  	s10 =	sld [smem:$0x3FB1];
	_ =	sdelay $0x3  }
0x33: {  	p0 =	seq.s32 s10, $0x1;
	s10 =	sld [smem:$0x3FB3];
	_ =	sdelay $0x3  }
0x34: {  	[smem:$0x3FB3] =	sst s10  }
0x35: {  	s10 =	sld [smem:$0x3FB2];
	_ =	sdelay $0x3  }
0x36: {  	p1 =	seq.s32 s10, $0x1;
	s10 =	sld [smem:$0x3FB3];
	_ =	sdelay $0x3  }
0x37: {  	[smem:$0x3FB3] =	sst s10  }
0x38: {  	s10 =	sld [smem:$0x3FB4]  }
0x39: {  	_ = 	snop;
	(pc) =	sbr.ind lr, $3  }
0x3a: {  	_ = 	snop  }
0x3b: {  	_ = 	snop  }
0x3c: {  	p2 =	seq.s32 s10, $0x1;
	s10 =	sld [smem:$0x3FB3]  }
0x3d: {  	_ =	shalt  }
0x3e: {  	_ =	shalt  }
0x3f: {  	_ =	shalt  }
0x40: {  	_ =	shalt  }
0x41: {  	_ =	shalt  }
0x42: {  	_ =	shalt  }
0x43: {  	_ =	shalt  }
0x44: {  	_ =	shalt  }
0x45: {  	_ =	shalt  }
0x46: {  	_ =	shalt  }
0x47: {  	_ =	shalt  }
0x48: {  	_ =	shalt  }
0x49: {  	_ =	shalt  }
0x4a: {  	_ =	shalt  }
0x4b: {  	_ =	shalt  }
0x4c: {  	_ =	shalt  }
0x4d: {  	_ =	shalt  }
0x4e: {  	_ =	shalt  }
0x4f: {  	_ =	shalt  }
0x50: {  	_ =	shalt  }
0x51: {  	_ =	shalt  }
0x52: {  	_ =	shalt  }
0x53: {  	_ =	shalt  }
0x54: {  	_ =	shalt  }
0x55: {  	_ =	shalt  }
0x56: {  	_ =	shalt  }
0x57: {  	_ =	shalt  }
0x58: {  	_ =	shalt  }
0x59: {  	_ =	shalt  }
0x5a: {  	_ =	shalt  }
0x5b: {  	_ =	shalt  }
0x5c: {  	_ =	shalt  }
0x5d: {  	_ =	shalt  }
0x5e: {  	_ =	shalt  }
0x5f: {  	_ =	shalt  }
0x60: {  	_ =	shalt  }
0x61: {  	_ =	shalt  }
0x62: {  	_ =	shalt  }
0x63: {  	_ =	shalt  }
0x64: {  	_ =	shalt  }
0x65: {  	_ =	shalt  }
0x66: {  	_ =	shalt  }
0x67: {  	_ =	shalt  }
0x68: {  	_ =	shalt  }
0x69: {  	_ =	shalt  }
0x6a: {  	_ =	shalt  }
0x6b: {  	_ =	shalt  }
0x6c: {  	_ =	shalt  }
0x6d: {  	_ =	shalt  }
0x6e: {  	_ =	shalt  }
0x6f: {  	_ =	shalt  }
0x70: {  	_ =	shalt  }
0x71: {  	_ =	shalt  }
0x72: {  	_ =	shalt  }
0x73: {  	_ =	shalt  }
0x74: {  	_ =	shalt  }
0x75: {  	_ =	shalt  }
0x76: {  	_ =	shalt  }
0x77: {  	_ =	shalt  }
0x78: {  	_ =	shalt  }
0x79: {  	_ =	shalt  }
0x7a: {  	_ =	shalt  }
0x7b: {  	_ =	shalt  }
0x7c: {  	_ =	shalt  }
0x7d: {  	_ =	shalt  }
0x7e: {  	_ =	shalt  }
0x7f: {  	_ =	shalt  }
0x80: {  	_ =	shalt  }
0x81: {  	_ =	shalt  }
0x82: {  	_ =	shalt  }
0x83: {  	_ =	shalt  }
0x84: {  	_ =	shalt  }
0x85: {  	_ =	shalt  }
0x86: {  	_ =	shalt  }
0x87: {  	_ =	shalt  }
.Lfunc_end0:
.L_simem_size_0:
called_computation.2_lowered:
.L_overlay_start_0:
0x88: {  	s2 =	sld [smem:$0x3FD9]  }
0x89: {  	s3 =	sld [smem:$0x3FFE];
	_ =	sdelay $0x1  }
0x8a: {  	s1 =	srdreg.scid  }
0x8b: {  	s0 =	sand.u32 $0x1, s1  }
0x8c: {  	s16 =	sshll.u32 s0, $0xA;
	s2 =	sadd.s32 s3, s2  }
0x8d: {  	s2 =	sadd.s32 s2, s16  }
0x8e: {  	[smem:$0x3FBF] =	sst s2  }
0x8f: {  	_ = 	snop  }
0x90: {  	(tm) =	ssettm $0x1  }
0x91: {  	s17 =	sld [smem:$0x3FFB];
	_ =	sdelay $0x3  }
0x92: {  	_ =	strace s17  }
0x93: {  	s2 =	sld [smem:$0x3FFC];
	_ =	sdelay $0x3  }
0x94: {  	_ =	strace s2  }
0x95: {  	s2 =	sld [smem:$0x3FFD];
	_ =	sdelay $0x3  }
0x96: {  	_ =	strace s2  }
0x97: {  	_ =	strace $0x8FFFFFFF  }
0x98: {  	s18 =	sld [smem:$0x3FDB];
	_ =	sdelay $0x1  }
0x99: {  	s19 =	simm.s32 $_scs_section_size  }
0x9a: {  	s4 =	simm.s32 $_size__tile_overlayer_lowered;
	s5 =	simm.s32 $_tile_overlayer_lowered  }
0x9b: {  	s22 =	simm.s32 $0x1BFF;
	s21 =	sshll.u32 s5, $0x1;
	s2 =	sadd.s32 s19, s18  }
0x9c: {  	s6 =	simm.s32 $0x0;
	s20 =	sshll.u32 s4, $0x1;
	s4 =	sadd.s32 s21, s2  }
0x9d: {  	[timem:s6], [sflag:s22] =	dma.local [hbm:s4], s20  }
0x9e: {  	_ =	swait.ge [sflag:s22], s20  }
0x9f: {  	s3 =	ssub.s32 $0x0, s20;
	[sflag:s22] =	ssyncset.done $0x0  }
0xa0: {  	[sflag:s22] =	ssyncadd.s32 s3;
	_ =	sdelay $0x1  }
0xa1: {  	s23 =	simm.s32 $0x1B8B  }
0xa2: {  	_ =	swait.ge [sflag:s23], $0x1  }
0xa3: {  	[sflag:s23] =	ssyncset.done $0x0  }
0xa4: {  	s25 =	simm.s32 $0x1B8E;
	s24 =	sld [smem:$0x3FFE];
	[sflag:s23] =	ssyncadd.s32 $0xFFFFFFFF  }
0xa5: {  	s26 =	simm.s32 $execute0_lowered;
	[smem:$0x3FD2] =	sst s25  }
0xa6: {  	s4 =	sshll.u32 s26, $0x1;
	_ =	strace $0x8000004C;
	[dreg:$0x1] =	wrdreg $0xFFFFFFFF  }
0xa7: {  	s28 =	simm.s32 $_size_execute0_lowered;
	s2 =	sadd.s32 s2, s4;
	[dreg:$0x0] =	wrdreg $0x0  }
0xa8: {  	s4 =	sshll.u32 s28, $0x1;
	[dreg:$0x2] =	wrdreg s2  }
0xa9: {  	[dreg:$0x3] =	wrdreg s4  }
0xaa: {  	[dreg:$0x4] =	wrdreg $0xC0  }
0xab: {  	_ =	task [dreg:s6], $0x5FFFF  }
0xac: {  	[dreg:$0x1] =	wrdreg $0xFFFFFFFF  }
0xad: {  	[dreg:$0x0] =	wrdreg $0x60  }
0xae: {  	[dreg:$0x2] =	wrdreg s24  }
0xaf: {  	[dreg:$0x3] =	wrdreg $0x90000  }
0xb0: {  	[dreg:$0x4] =	wrdreg $0x9  }
0xb1: {  	_ =	task.clear_ibuf [dreg:s6], $0x5FFFF;
	_ =	strace $0x9000004C  }
0xb2: {  	s29 =	simm.s32 $0x9;
	_ =	strace $0x8000004E  }
0xb3: {  	_ =	swait.ge [sflag:s29], $0x1  }
0xb4: {  	[sflag:s29] =	ssyncadd.s32 $0xFFFFFFFF  }
0xb5: {  	_ =	strace $0x9000004E  }
0xb6: {  	_ =	sfence  }
0xb7: {  	s30 =	sld [smem:$0x0];
	_ =	sdelay $0x2  }
0xb8: {  	s31 =	sshll.u32 s1, $0xD;
	s1 =	sshrl.u32 s1, $0x2  }
0xb9: {  	s3 =	sand.u32 $0x4000, s31;
	s1 =	sadd.s32 s1, s30  }
0xba: {  	s0 =	sor.u32 s3, s0;
	s1 =	sshll.u32 s1, $0x11  }
0xbb: {  	s0 =	sor.u32 s1, s0  }
0xbc: {  	s0 =	sadd.s32 $0x8F2B, s0  }
0xbd: {  	[sflag:s0] =	ssyncadd.remote.s32 $0x1  }
0xbe: {  	_ =	sfence.sel $0xFFFF  }
0xbf: {  	[dreg:$0x0] =	wrdreg $0xFFFFFFFF;
	(pc) =	sbr.abs _section_cstart, $3  }
0xc0: {  	[dreg:$0x1] =	wrdreg $0xFFFFFFFF  }
0xc1: {  	_ =	task.clear_ibuf [dreg:s6], $0x2FFFF;
	_ =	strace $0x9FFFFFFF  }
0xc2: {  	(tm) =	ssettm $0x7FFFFFFF  }
0xc3: {  	_ =	shalt  }
tec
execute0_lowered:
.L_overlay_start_1:
0x0: {  	(tag) =	ssettag $0x1  }
0x1: {  	s1 =	srdreg.scid;
	s5 =	rddreg [dreg:$0x0]  }
0x2: {  	s0 =	stileid.u32;
	s2 =	rddreg [dreg:$0x1];
	s3 =	simm.s32 $0x0  }
0x3: {  	s6 =	sand.u32 $0x1, s1;
	s1 =	rddreg [dreg:$0x2];
	s8 =	smul.u32 $0x50000, s0  }
0x4: {  	s23 =	sshll.u32 s0, $0x1;
	[smem:$0x7FF] =	sst s3;
	s15 =	smul.u32 $0x14000, s0  }
0x5: {  	s17 =	sadd.s32 $0x8E400, s5;
	s4 =	sor.u32 s6, s23;
	s16 =	smul.u32 $0x140000, s6  }
0x6: {  	_ =	strace $0x8000004D;
	s6 =	ssub.s32 $0x2, s6;
	s7 =	smul.u32 $0x500, s4  }
0x7: {  	s4 =	sadd.s32 $0x66400, s5;
	s24 =	sshrl.u32 s6, $0x1;
	s25 =	sshrl.u32 s8, $0x2  }
0x8: {  	s18 =	sadd.s32 $0x4000, s15;
	s19 =	sadd.s32 $0x8000, s15;
	s20 =	sadd.s32 $0xC000, s15  }
0x9: {  	s23 =	sadd.s32 $0x10000, s15;
	s9 =	ssub.s32 s6, s24;
	s26 =	sadd.s32 s16, s15  }
0xa: {  	s13 =	sadd.s32 s16, s18;
	s22 =	sadd.s32 s18, s2;
	s28 =	sadd.s32 s16, s19  }
0xb: {  	s21 =	sadd.s32 s16, s20;
	s30 =	sadd.s32 s16, s23;
	s24 =	sadd.s32 s19, s2  }
0xc: {  	s19 =	simm.s32 $0x1;
	s7 =	sadd.s32 s7, s5;
	s5 =	sadd.s32 s25, s2  }
0xd: {  	s8 =	sshrl.u32 s26, $0x3;
	s9 =	smax.u32 s9, $0x1;
	s14 =	sshrl.u32 s13, $0x3  }
0xe: {  	s18 =	sshrl.u32 s28, $0x3;
	s29 =	sshrl.u32 s21, $0x3;
	s31 =	sshrl.u32 s30, $0x3  }
0xf: {  	s25 =	sadd.s32 s20, s2;
	s26 =	sadd.s32 s23, s2;
	s20 =	simm.s32 $0x2800  }
0x10: {  	s21 =	simm.s32 $0x80;
	s22 =	sshrl.u32 s22, $0x3;
	s23 =	sshrl.u32 s24, $0x3  }
0x11: {  	s6 =	sadd.s32 $0x5C400, s7;
	s7 =	sadd.s32 $0x2400, s7;
	s8 =	sadd.s32 s17, s8  }
0x12: {  	s10 =	sadd.s32 $0x4000, s5;
	s11 =	sadd.s32 $0x8000, s5;
	s12 =	sadd.s32 $0xC000, s5  }
0x13: {  	s13 =	sadd.s32 $0x10000, s5;
	s14 =	sadd.s32 s17, s14;
	s15 =	sadd.s32 s17, s18  }
0x14: {  	s16 =	sadd.s32 s17, s29;
	s17 =	sadd.s32 s17, s31;
	s18 =	simm.s32 $0x5000  }
0x15: {  	v0 =	vimm.f32 $0.0e+00;
	s24 =	sshrl.u32 s25, $0x3;
	s25 =	sshrl.u32 s26, $0x3;
	s26 =	simm.s32 $0x0  }
.LBB2_1:
0x16: {  	s28 =	sand.u32 $0xFE00, s3  }
0x17: {  	s29 =	sand.u32 $0x70, s3;
	s30 =	sshrl.u32 s28, $0x2  }
0x18: {  	s28 =	simm.s32 $0x40;
	s30 =	sor.u32 s29, s30;
	s29 =	simm.s32 $0x0  }
.LBB2_2:
0x19: {  	p0 =	sne.s32 s28, $0xFFC0  }
0x1a: {  	[tilespmem:s30+$0x5000] =	vst v0;
	s29 =	sadd.s32 $0x10, s29;
	s30 =	smov.u32 s28;
	s28 =	sadd.s32 $0x40, s28  }
.Ltmp0:
0x1b: {  	(pc) =	sbr.rel @p0 .LBB2_2-.Ltmp0, $4  }
0x1c: {  	_ = 	snop  }
0x1d: {  	s30 =	sand.u32 $0xFE00, s30  }
0x1e: {  	s31 =	sand.u32 $0x70, s29;
	s30 =	sshrl.u32 s30, $0x2  }
0x1f: {  	s30 =	sor.u32 s31, s30  }
0x20: {  	[tilespmem:s30+$0x5000] =	vst v0  }
0x21: {  	[spmem:s5] =	stream.linear.scatter [tilespmem:s18], [sflag:$0x1], $0x4000, $0x38;
	[tilespmem:$0x1D000] =	vst v63  }
0x22: {  	_ =	swait.ge [sflag:s19], $0x4000  }
0x23: {  	[sflag:s19] =	ssyncset.done $0x0  }
0x24: {  	[sflag:s19] =	ssyncadd.s32 $0xFFFFC000  }
0x25: {  	[spmem:s10] =	stream.linear.scatter [tilespmem:s18], [sflag:$0x1], $0x4000, $0x38;
	[tilespmem:$0x1D000] =	vst v63  }
0x26: {  	_ =	swait.ge [sflag:s19], $0x4000  }
0x27: {  	[sflag:s19] =	ssyncset.done $0x0  }
0x28: {  	[sflag:s19] =	ssyncadd.s32 $0xFFFFC000  }
0x29: {  	[spmem:s11] =	stream.linear.scatter [tilespmem:s18], [sflag:$0x1], $0x4000, $0x38;
	[tilespmem:$0x1D000] =	vst v63  }
0x2a: {  	_ =	swait.ge [sflag:s19], $0x4000  }
0x2b: {  	[sflag:s19] =	ssyncset.done $0x0  }
0x2c: {  	[sflag:s19] =	ssyncadd.s32 $0xFFFFC000  }
0x2d: {  	[spmem:s12] =	stream.linear.scatter [tilespmem:s18], [sflag:$0x1], $0x4000, $0x38;
	[tilespmem:$0x1D000] =	vst v63  }
0x2e: {  	_ =	swait.ge [sflag:s19], $0x4000  }
0x2f: {  	[sflag:s19] =	ssyncset.done $0x0  }
0x30: {  	[sflag:s19] =	ssyncadd.s32 $0xFFFFC000  }
0x31: {  	[spmem:s13] =	stream.linear.scatter [tilespmem:s18], [sflag:$0x1], $0x4000, $0x38;
	[tilespmem:$0x1D000] =	vst v63  }
0x32: {  	_ =	swait.ge [sflag:s19], $0x4000  }
0x33: {  	[sflag:s19] =	ssyncset.done $0x0  }
0x34: {  	[sflag:s19] =	ssyncadd.s32 $0xFFFFC000  }
0x35: {  	s28 =	simm.s32 $0x0;
	[bflag:$0x0] =	sbarrier.arrive $0xFFFF  }
0x36: {  	[tilespmem:s28], [sflag:$0x1] =	stream.linear.gather [hbm4b:s6+s28], $0x2780, $0x38;
	[tilespmem:$0x1D000] =	vst v63  }
0x37: {  	_ =	swait.ge [sflag:s19], $0x2780  }
0x38: {  	[sflag:s19] =	ssyncset.done $0x0  }
0x39: {  	[sflag:s19] =	ssyncadd.s32 $0xFFFFD880  }
0x3a: {  	[tilespmem:s20], [sflag:$0x1] =	stream.linear.gather [hbm4b:s7+s28], $0x2780, $0x38;
	[tilespmem:$0x1D000] =	vst v63  }
0x3b: {  	_ =	swait.ge [sflag:s19], $0x2780  }
0x3c: {  	[sflag:s19] =	ssyncset.done $0x0  }
0x3d: {  	s28 =	simm.s32 $0x0;
	[sflag:s19] =	ssyncadd.s32 $0xFFFFD880  }
0x3e: {  	[tilespmem:s18], [sflag:$0x1] =	stream.indirect.gather [hbm4b:s4+s21], $0x80, s28, s21, $0xb8;
	[tilespmem:$0x1D000] =	vst v63  }
0x3f: {  	_ =	swait.ge [sflag:s19], $0x4000  }
0x40: {  	[sflag:s19] =	ssyncset.done $0x0  }
0x41: {  	s28 =	simm.s32 $0x2800;
	[sflag:s19] =	ssyncadd.s32 $0xFFFFC000  }
0x42: {  	[spmem:s2] =	stream.indirect.scatter.add.f32 [tilespmem:s18], [sflag:$0x1], $0x80, s28, s21, $0xb8;
	[tilespmem:$0x1D000] =	vst v63  }
0x43: {  	_ =	swait.ge [sflag:s19], $0x4000  }
0x44: {  	s29 =	simm.s32 $0x400;
	s28 =	simm.s32 $0x200;
	[sflag:s19] =	ssyncset.done $0x0  }
.LBB2_4:
0x45: {  	s30 =	sshra.s32 s28, $0x2  }
0x46: {  	[sflag:s19] =	ssyncadd.s32 $0xFFFFC000;
	s28 =	smov.u32 s29;
	s31 =	sadd.s32 $0x200, s29  }
0x47: {  	[tilespmem:s18], [sflag:$0x1] =	stream.indirect.gather [hbm4b:s4+s21], $0x80, s30, s21, $0xb8;
	[tilespmem:$0x1D000] =	vst v63  }
0x48: {  	p0 =	sne.s32 s29, $0x9C00;
	_ =	swait.ge [sflag:s19], $0x4000  }
.Ltmp1:
0x49: {  	[sflag:s19] =	ssyncset.done $0x0;
	(pc) =	sbr.rel @p0 .LBB2_4-.Ltmp1, $4  }
0x4a: {  	s29 =	sadd.s32 $0x2800, s30;
	[sflag:s19] =	ssyncadd.s32 $0xFFFFC000  }
0x4b: {  	[spmem:s2] =	stream.indirect.scatter.add.f32 [tilespmem:s18], [sflag:$0x1], $0x80, s29, s21, $0xb8;
	[tilespmem:$0x1D000] =	vst v63  }
0x4c: {  	_ =	swait.ge [sflag:s19], $0x4000  }
0x4d: {  	s29 =	smov.u32 s31;
	[sflag:s19] =	ssyncset.done $0x0  }
0x4e: {  	s28 =	sshra.s32 s28, $0x2;
	[sflag:s19] =	ssyncadd.s32 $0xFFFFC000  }
0x4f: {  	[tilespmem:s18], [sflag:$0x1] =	stream.indirect.gather [hbm4b:s4+s21], $0x80, s28, s21, $0xb8;
	[tilespmem:$0x1D000] =	vst v63  }
0x50: {  	_ =	swait.ge [sflag:s19], $0x4000  }
0x51: {  	[sflag:s19] =	ssyncset.done $0x0  }
0x52: {  	s28 =	sadd.s32 $0x2800, s28;
	[sflag:s19] =	ssyncadd.s32 $0xFFFFC000  }
0x53: {  	[spmem:s2] =	stream.indirect.scatter.add.f32 [tilespmem:s18], [sflag:$0x1], $0x80, s28, s21, $0xb8;
	[tilespmem:$0x1D000] =	vst v63  }
0x54: {  	_ =	swait.ge [sflag:s19], $0x4000  }
0x55: {  	[sflag:s19] =	ssyncset.done $0x0  }
0x56: {  	s31 =	sshll.u32 s0, $0x6;
	[sflag:s19] =	ssyncadd.s32 $0xFFFFC000  }
0x57: {  	s29 =	sshrl.u32 s5, $0x3;
	s28 =	sor.u32 $0x1C01, s31;
	[bflag:$0x0] =	sbarrier.arrive $0xFFFF  }
0x58: {  	[hbm:s8], [sflag:s28] =	dma.local [spmem:s29], $0x800  }
0x59: {  	_ =	swait.ge [sflag:s19], $0x800  }
0x5a: {  	[sflag:s19] =	ssyncset.done $0x0  }
0x5b: {  	[sflag:s19] =	ssyncadd.s32 $0xFFFFF800  }
0x5c: {  	[hbm:s14], [sflag:s28] =	dma.local [spmem:s22], $0x800  }
0x5d: {  	_ =	swait.ge [sflag:s19], $0x800  }
0x5e: {  	[sflag:s19] =	ssyncset.done $0x0  }
0x5f: {  	[sflag:s19] =	ssyncadd.s32 $0xFFFFF800  }
0x60: {  	[hbm:s15], [sflag:s28] =	dma.local [spmem:s23], $0x800  }
0x61: {  	_ =	swait.ge [sflag:s19], $0x800  }
0x62: {  	[sflag:s19] =	ssyncset.done $0x0  }
0x63: {  	[sflag:s19] =	ssyncadd.s32 $0xFFFFF800  }
0x64: {  	[hbm:s16], [sflag:s28] =	dma.local [spmem:s24], $0x800  }
0x65: {  	s26 =	sadd.s32 $0x1, s26;
	_ =	swait.ge [sflag:s19], $0x800  }
0x66: {  	p0 =	sne.s32 s26, s9;
	[sflag:s19] =	ssyncset.done $0x0  }
.Ltmp2:
0x67: {  	[sflag:s19] =	ssyncadd.s32 $0xFFFFF800;
	(pc) =	sbr.rel @p0 .LBB2_1-.Ltmp2, $4  }
0x68: {  	[hbm:s17], [sflag:s28] =	dma.local [spmem:s25], $0x800  }
0x69: {  	_ =	swait.ge [sflag:s19], $0x800  }
0x6a: {  	[sflag:s19] =	ssyncset.done $0x0  }
0x6b: {  	[sflag:s19] =	ssyncadd.s32 $0xFFFFF800  }
0x6c: {  	_ =	sfence.sel $0x180000  }
0x6d: {  	[bflag:$0x0] =	sbarrier.arrive $0xFFFF  }
0x6e: {  	p0 =	sne.s32 s0, $0x0;
	_ =	strace $0x9000004D  }
0x6f: {  	s0 =	sadd.s32 @!p0 $0x100000, s1;
	[bflag:$0x2] =	sbarrier.arrive $0xFFFF  }
0x70: {  	[sflag:s0] =	ssyncadd.tile.s32 @!p0 $0x1;
	_ =	shalt  }
.Lfunc_end2:
_tile_overlayer_lowered:
.L_overlay_start_2:
0x71: {  	(tag) =	ssettag $0x2  }
0x72: {  	s0 =	rddreg [dreg:$0x0];
	s2 =	stileid.u32  }
0x73: {  	s1 =	rddreg [dreg:$0x1];
	p0 =	sne.s32 s2, $0x0  }
0x74: {  	s3 =	rddreg [dreg:$0x2];
	[bflag:$0x3] =	sbarrier.arrive $0xFFFF;
	s2 =	simm.s32 @!p0 $0x1C01  }
0x75: {  	[timem:s3], [sflag:s2] =	dma.local @!p0 [hbm:s0], s1  }
0x76: {  	s0 =	simm.s32 @!p0 $0x1  }
0x77: {  	_ =	swait.ge @!p0 [sflag:s0], s1  }
0x78: {  	s1 =	ssub.s32 @!p0 $0x0, s1;
	[sflag:s0] =	ssyncset.done @!p0 $0x0  }
0x79: {  	[sflag:s0] =	ssyncadd.s32 @!p0 s1  }
0x7a: {  	[bflag:$0x3] =	sbarrier.arrive $0xFFFF  }
0x7b: {  	_ =	shalt  }

// kernel: kernel.9.cloned.1.call-start
scs
__scs_entry_jumppad:
0x0: {  	(pc) =	sbr.rel $0x88, $3  }
0x1: {  	(tag) =	ssettag $0x0;
	lr =	simm.s32 $0x1  }
0x2: {  	[smem:$0x3F98] =	sst lr;
	_ =	strace $0xD0000000  }
0x3: {  	_ = 	snop  }
0x4: {  	_ = 	snop  }
0x5: {  	_ = 	snop  }
0x6: {  	_ = 	snop  }
0x7: {  	_ = 	snop  }
__scs_overlays_trampoline_lowered:
0x8: {  	[smem:$0x3FA7] =	sst s0  }
0x9: {  	[smem:$0x3FA8] =	sst s1  }
0xa: {  	[smem:$0x3FA9] =	sst s2  }
0xb: {  	[smem:$0x3FAA] =	sst s3  }
0xc: {  	[smem:$0x3FAB] =	sst s4  }
0xd: {  	[smem:$0x3FAC] =	sst s5  }
0xe: {  	[smem:$0x3FAD] =	sst s6  }
0xf: {  	[smem:$0x3FAE] =	sst s7  }
0x10: {  	[smem:$0x3FAF] =	sst s8  }
0x11: {  	[smem:$0x3FB0] =	sst s9;
	s0 =	simm.s32 @!p0 $0x0  }
0x12: {  	s1 =	sld [smem:$0x3F96];
	s0 =	simm.s32 @p0 $0x1  }
0x13: {  	[smem:$0x3FB1] =	sst s0;
	s0 =	simm.s32 @!p1 $0x0  }
0x14: {  	s2 =	sld [smem:$0x3F95];
	s0 =	simm.s32 @p1 $0x1  }
0x15: {  	[smem:$0x3FB2] =	sst s0;
	s0 =	simm.s32 @!p2 $0x0  }
0x16: {  	s3 =	sld [smem:$0x3FDB];
	s0 =	simm.s32 @p2 $0x1  }
0x17: {  	s4 =	simm.s32 $0x1BF5;
	[smem:$0x3FB4] =	sst s0  }
0x18: {  	s0 =	sld [smem:$0x3F97];
	_ =	swait.ge [sflag:s4], $0x0  }
0x19: {  	s7 =	sld [smem:$0x3F98]  }
0x1a: {  	s8 =	sadd.s32 $0xFFFFE003, lr  }
0x1b: {  	s9 =	sadd.s32 $0xFFFFFEF7, lr;
	s5 =	simm.s32 $0xFFFFFFFF;
	p2 =	slt.u32 s8, $0xFFFFF086  }
0x1c: {  	p1 =	slt.u32 s9, $0xF7A;
	s5 =	simm.s32 @!p2 $0x0  }
0x1d: {  	s5 =	simm.s32 @p1 $0x1;
	p0 =	seq.s32 s7, s2  }
0x1e: {  	s7 =	smul.u32 @!p0 $0xF7A, s2;
	p2 =	seq.s32 @!p0 s5, $0x0  }
0x1f: {  	s9 =	smul.u32 $0xF7A, s1;
	s8 =	simm.s32 @!p0 $0x1BF5;
	p2 =	por !p2, p0  }
0x20: {  	[sflag:s8] =	ssyncset.s32 @!p0 $0xFFFFF086;
	s6 =	sadd.s32 @!p0 s3, s7;
	s7 =	simm.s32 @!p0 $0x108  }
0x21: {  	s3 =	sadd.s32 s3, s9;
	s6 =	sadd.s32 @!p0 $0x88, s6;
	s7 =	simm.s32 @p2 $0x1082  }
0x22: {  	[simem:s7], [sflag:s8] =	dma.local @!p0 [hbm:s6], $0xF7A  }
0x23: {  	s9 =	sor.u32 $0xD0000000, s2;
	s6 =	simm.s32 $0x108;
	_ =	swait.ge @!p0 [sflag:s8], $0x0  }
0x24: {  	s3 =	sadd.s32 $0x88, s3;
	s6 =	simm.s32 @!p1 $0x1082;
	[sflag:s4] =	ssyncset.s32 $0xFFFFF086  }
0x25: {  	[simem:s6], [sflag:s4] =	dma.local [hbm:s3], $0xF7A  }
0x26: {  	[smem:$0x3F98] =	sst s1;
	(tag) =	ssettag s2;
	_ =	strace s9  }
0x27: {  	s1 =	sld [smem:$0x3FA8]  }
0x28: {  	s2 =	sld [smem:$0x3FA9]  }
0x29: {  	s4 =	sld [smem:$0x3FAB]  }
0x2a: {  	p0 =	seq.s32 s5, $0x0;
	s5 =	sld [smem:$0x3FAC]  }
0x2b: {  	s6 =	sld [smem:$0x3FAD]  }
0x2c: {  	s7 =	sld [smem:$0x3FAE]  }
0x2d: {  	s3 =	simm.s32 $0x108;
	s8 =	sld [smem:$0x3FAF]  }
0x2e: {  	s3 =	simm.s32 @!p0 $0x1082;
	s9 =	sld [smem:$0x3FB0]  }
0x2f: {  	lr =	sadd.s32 s0, s3;
	s0 =	sld [smem:$0x3FA7]  }
0x30: {  	s3 =	sld [smem:$0x3FAA]  }
0x31: {  	[smem:$0x3FB3] =	sst s10  }
0x32: {  	s10 =	sld [smem:$0x3FB1];
	_ =	sdelay $0x3  }
0x33: {  	p0 =	seq.s32 s10, $0x1;
	s10 =	sld [smem:$0x3FB3];
	_ =	sdelay $0x3  }
0x34: {  	[smem:$0x3FB3] =	sst s10  }
0x35: {  	s10 =	sld [smem:$0x3FB2];
	_ =	sdelay $0x3  }
0x36: {  	p1 =	seq.s32 s10, $0x1;
	s10 =	sld [smem:$0x3FB3];
	_ =	sdelay $0x3  }
0x37: {  	[smem:$0x3FB3] =	sst s10  }
0x38: {  	s10 =	sld [smem:$0x3FB4]  }
0x39: {  	_ = 	snop;
	(pc) =	sbr.ind lr, $3  }
0x3a: {  	_ = 	snop  }
0x3b: {  	_ = 	snop  }
0x3c: {  	p2 =	seq.s32 s10, $0x1;
	s10 =	sld [smem:$0x3FB3]  }
0x3d: {  	_ =	shalt  }
0x3e: {  	_ =	shalt  }
0x3f: {  	_ =	shalt  }
0x40: {  	_ =	shalt  }
0x41: {  	_ =	shalt  }
0x42: {  	_ =	shalt  }
0x43: {  	_ =	shalt  }
0x44: {  	_ =	shalt  }
0x45: {  	_ =	shalt  }
0x46: {  	_ =	shalt  }
0x47: {  	_ =	shalt  }
0x48: {  	_ =	shalt  }
0x49: {  	_ =	shalt  }
0x4a: {  	_ =	shalt  }
0x4b: {  	_ =	shalt  }
0x4c: {  	_ =	shalt  }
0x4d: {  	_ =	shalt  }
0x4e: {  	_ =	shalt  }
0x4f: {  	_ =	shalt  }
0x50: {  	_ =	shalt  }
0x51: {  	_ =	shalt  }
0x52: {  	_ =	shalt  }
0x53: {  	_ =	shalt  }
0x54: {  	_ =	shalt  }
0x55: {  	_ =	shalt  }
0x56: {  	_ =	shalt  }
0x57: {  	_ =	shalt  }
0x58: {  	_ =	shalt  }
0x59: {  	_ =	shalt  }
0x5a: {  	_ =	shalt  }
0x5b: {  	_ =	shalt  }
0x5c: {  	_ =	shalt  }
0x5d: {  	_ =	shalt  }
0x5e: {  	_ =	shalt  }
0x5f: {  	_ =	shalt  }
0x60: {  	_ =	shalt  }
0x61: {  	_ =	shalt  }
0x62: {  	_ =	shalt  }
0x63: {  	_ =	shalt  }
0x64: {  	_ =	shalt  }
0x65: {  	_ =	shalt  }
0x66: {  	_ =	shalt  }
0x67: {  	_ =	shalt  }
0x68: {  	_ =	shalt  }
0x69: {  	_ =	shalt  }
0x6a: {  	_ =	shalt  }
0x6b: {  	_ =	shalt  }
0x6c: {  	_ =	shalt  }
0x6d: {  	_ =	shalt  }
0x6e: {  	_ =	shalt  }
0x6f: {  	_ =	shalt  }
0x70: {  	_ =	shalt  }
0x71: {  	_ =	shalt  }
0x72: {  	_ =	shalt  }
0x73: {  	_ =	shalt  }
0x74: {  	_ =	shalt  }
0x75: {  	_ =	shalt  }
0x76: {  	_ =	shalt  }
0x77: {  	_ =	shalt  }
0x78: {  	_ =	shalt  }
0x79: {  	_ =	shalt  }
0x7a: {  	_ =	shalt  }
0x7b: {  	_ =	shalt  }
0x7c: {  	_ =	shalt  }
0x7d: {  	_ =	shalt  }
0x7e: {  	_ =	shalt  }
0x7f: {  	_ =	shalt  }
0x80: {  	_ =	shalt  }
0x81: {  	_ =	shalt  }
0x82: {  	_ =	shalt  }
0x83: {  	_ =	shalt  }
0x84: {  	_ =	shalt  }
0x85: {  	_ =	shalt  }
0x86: {  	_ =	shalt  }
0x87: {  	_ =	shalt  }
.Lfunc_end0:
.L_simem_size_0:
called_computation_lowered:
.L_overlay_start_0:
0x88: {  	s2 =	sld [smem:$0x3FD9]  }
0x89: {  	s3 =	sld [smem:$0x3FFE];
	_ =	sdelay $0x1  }
0x8a: {  	s1 =	srdreg.scid  }
0x8b: {  	s0 =	sand.u32 $0x1, s1  }
0x8c: {  	s16 =	sshll.u32 s0, $0xA;
	s2 =	sadd.s32 s3, s2  }
0x8d: {  	s2 =	sadd.s32 s2, s16  }
0x8e: {  	[smem:$0x3FBF] =	sst s2  }
0x8f: {  	_ = 	snop  }
0x90: {  	(tm) =	ssettm $0x1  }
0x91: {  	s17 =	sld [smem:$0x3FFB];
	_ =	sdelay $0x3  }
0x92: {  	_ =	strace s17  }
0x93: {  	s2 =	sld [smem:$0x3FFC];
	_ =	sdelay $0x3  }
0x94: {  	_ =	strace s2  }
0x95: {  	s2 =	sld [smem:$0x3FFD];
	_ =	sdelay $0x3  }
0x96: {  	_ =	strace s2  }
0x97: {  	_ =	strace $0x8FFFFFFF  }
0x98: {  	s18 =	sld [smem:$0x3FDB];
	_ =	sdelay $0x1  }
0x99: {  	s19 =	simm.s32 $_scs_section_size  }
0x9a: {  	s4 =	simm.s32 $_size__tile_overlayer_lowered;
	s5 =	simm.s32 $_tile_overlayer_lowered  }
0x9b: {  	s22 =	simm.s32 $0x1BFF;
	s21 =	sshll.u32 s5, $0x1;
	s2 =	sadd.s32 s19, s18  }
0x9c: {  	s6 =	simm.s32 $0x0;
	s20 =	sshll.u32 s4, $0x1;
	s4 =	sadd.s32 s21, s2  }
0x9d: {  	[timem:s6], [sflag:s22] =	dma.local [hbm:s4], s20  }
0x9e: {  	_ =	swait.ge [sflag:s22], s20  }
0x9f: {  	s3 =	ssub.s32 $0x0, s20;
	[sflag:s22] =	ssyncset.done $0x0  }
0xa0: {  	[sflag:s22] =	ssyncadd.s32 s3;
	_ =	sdelay $0x1  }
0xa1: {  	s23 =	simm.s32 $0x1B8B  }
0xa2: {  	_ =	swait.ge [sflag:s23], $0x1  }
0xa3: {  	[sflag:s23] =	ssyncset.done $0x0  }
0xa4: {  	s25 =	simm.s32 $0x1B8E;
	s24 =	sld [smem:$0x3FFE];
	[sflag:s23] =	ssyncadd.s32 $0xFFFFFFFF  }
0xa5: {  	s26 =	simm.s32 $execute0_lowered;
	[smem:$0x3FD2] =	sst s25  }
0xa6: {  	s4 =	sshll.u32 s26, $0x1;
	_ =	strace $0x80000046;
	[dreg:$0x1] =	wrdreg $0xFFFFFFFF  }
0xa7: {  	s28 =	simm.s32 $_size_execute0_lowered;
	s2 =	sadd.s32 s2, s4;
	[dreg:$0x0] =	wrdreg $0x0  }
0xa8: {  	s4 =	sshll.u32 s28, $0x1;
	[dreg:$0x2] =	wrdreg s2  }
0xa9: {  	[dreg:$0x3] =	wrdreg s4  }
0xaa: {  	[dreg:$0x4] =	wrdreg $0xC0  }
0xab: {  	_ =	task [dreg:s6], $0x5FFFF  }
0xac: {  	[dreg:$0x1] =	wrdreg $0xFFFFFFFF  }
0xad: {  	[dreg:$0x0] =	wrdreg $0x60  }
0xae: {  	[dreg:$0x2] =	wrdreg s24  }
0xaf: {  	[dreg:$0x3] =	wrdreg $0x68000  }
0xb0: {  	[dreg:$0x4] =	wrdreg $0x9  }
0xb1: {  	_ =	task.clear_ibuf [dreg:s6], $0x5FFFF;
	_ =	strace $0x90000046  }
0xb2: {  	s29 =	simm.s32 $0x9;
	_ =	strace $0x80000048  }
0xb3: {  	_ =	swait.ge [sflag:s29], $0x1  }
0xb4: {  	[sflag:s29] =	ssyncadd.s32 $0xFFFFFFFF  }
0xb5: {  	_ =	strace $0x90000048  }
0xb6: {  	_ =	sfence  }
0xb7: {  	s30 =	sld [smem:$0x0];
	_ =	sdelay $0x2  }
0xb8: {  	s31 =	sshll.u32 s1, $0xD;
	s1 =	sshrl.u32 s1, $0x2  }
0xb9: {  	s3 =	sand.u32 $0x4000, s31;
	s1 =	sadd.s32 s1, s30  }
0xba: {  	s0 =	sor.u32 s3, s0;
	s1 =	sshll.u32 s1, $0x11  }
0xbb: {  	s0 =	sor.u32 s1, s0  }
0xbc: {  	s0 =	sadd.s32 $0x8F2B, s0  }
0xbd: {  	[sflag:s0] =	ssyncadd.remote.s32 $0x1  }
0xbe: {  	_ =	sfence.sel $0xFFFF  }
0xbf: {  	[dreg:$0x0] =	wrdreg $0xFFFFFFFF;
	(pc) =	sbr.abs _section_cstart, $3  }
0xc0: {  	[dreg:$0x1] =	wrdreg $0xFFFFFFFF  }
0xc1: {  	_ =	task.clear_ibuf [dreg:s6], $0x2FFFF;
	_ =	strace $0x9FFFFFFF  }
0xc2: {  	(tm) =	ssettm $0x7FFFFFFF  }
0xc3: {  	_ =	shalt  }
tec
execute0_lowered:
.L_overlay_start_1:
0x0: {  	(tag) =	ssettag $0x1  }
0x1: {  	s1 =	srdreg.scid;
	s5 =	rddreg [dreg:$0x0]  }
0x2: {  	s0 =	stileid.u32;
	s2 =	rddreg [dreg:$0x1]  }
0x3: {  	s3 =	simm.s32 $0x0;
	s4 =	sand.u32 $0x1, s1;
	s7 =	smul.u32 $0x50000, s0  }
0x4: {  	s21 =	sshll.u32 s0, $0x1;
	[smem:$0x7FF] =	sst s3;
	s15 =	smul.u32 $0x14000, s0  }
0x5: {  	s16 =	sadd.s32 $0xC400, s5;
	s1 =	sor.u32 s4, s21;
	s14 =	smul.u32 $0x140000, s4  }
0x6: {  	s4 =	ssub.s32 $0x2, s4;
	s6 =	smul.u32 $0x500, s1;
	s1 =	rddreg [dreg:$0x2]  }
0x7: {  	_ =	strace $0x80000047;
	s22 =	sshrl.u32 s4, $0x1;
	s23 =	sshrl.u32 s7, $0x2  }
0x8: {  	s13 =	sadd.s32 $0x4000, s15;
	s17 =	sadd.s32 $0x8000, s15;
	s28 =	sadd.s32 $0xC000, s15  }
0x9: {  	s21 =	sadd.s32 $0x10000, s15;
	s8 =	ssub.s32 s4, s22;
	s24 =	sadd.s32 s14, s15  }
0xa: {  	s4 =	sadd.s32 s23, s2;
	s11 =	sadd.s32 s14, s13;
	s18 =	sadd.s32 s14, s17  }
0xb: {  	s19 =	sadd.s32 s13, s2;
	s20 =	sadd.s32 s14, s28;
	s22 =	sadd.s32 s17, s2  }
0xc: {  	s30 =	sadd.s32 s14, s21;
	s23 =	sadd.s32 s28, s2;
	s17 =	simm.s32 $0x1  }
0xd: {  	s6 =	sadd.s32 s6, s5;
	s25 =	sshrl.u32 s24, $0x3;
	s7 =	smax.u32 s8, $0x1  }
0xe: {  	s8 =	sadd.s32 $0x4000, s4;
	s9 =	sadd.s32 $0x8000, s4;
	s10 =	sadd.s32 $0xC000, s4  }
0xf: {  	s12 =	sshrl.u32 s11, $0x3;
	s11 =	sadd.s32 $0x10000, s4;
	s26 =	sshrl.u32 s18, $0x3  }
0x10: {  	s29 =	sshrl.u32 s20, $0x3;
	s31 =	sshrl.u32 s30, $0x3;
	s24 =	sadd.s32 s21, s2  }
0x11: {  	s18 =	simm.s32 $0x80;
	s19 =	sshrl.u32 s19, $0x3;
	s20 =	sshrl.u32 s22, $0x3  }
0x12: {  	s21 =	sshrl.u32 s23, $0x3;
	s5 =	sadd.s32 $0x2400, s6;
	s6 =	sadd.s32 s16, s25  }
0x13: {  	s12 =	sadd.s32 s16, s12;
	s13 =	sadd.s32 s16, s26;
	s14 =	sadd.s32 s16, s29  }
0x14: {  	v0 =	vimm.f32 $0.0e+00;
	v1 =	vimm.f32 $1.000000000e+00;
	s15 =	sadd.s32 s16, s31;
	s16 =	simm.s32 $0x2800;
	s22 =	sshrl.u32 s24, $0x3  }
.LBB2_1:
0x15: {  	s23 =	simm.s32 $0x200;
	s24 =	simm.s32 $0x0  }
.LBB2_2:
0x16: {  	p0 =	sne.s32 s23, $0xFE00;
	[tilespmem:s24+$0x2800] =	vst v0;
	s24 =	smov.u32 s23;
	s23 =	sadd.s32 $0x200, s23  }
.Ltmp0:
0x17: {  	(pc) =	sbr.rel @p0 .LBB2_2-.Ltmp0, $2  }
0x18: {  	_ =	sdelay $0x2  }
0x19: {  	s24 =	sshra.s32 s24, $0x2  }
0x1a: {  	[tilespmem:s24+$0x2800] =	vst v0  }
0x1b: {  	[spmem:s4] =	stream.linear.scatter [tilespmem:s16], [sflag:$0x1], $0x4000, $0x38;
	[tilespmem:$0x9000] =	vst v63  }
0x1c: {  	_ =	swait.ge [sflag:s17], $0x4000  }
0x1d: {  	[sflag:s17] =	ssyncset.done $0x0  }
0x1e: {  	[sflag:s17] =	ssyncadd.s32 $0xFFFFC000  }
0x1f: {  	[spmem:s8] =	stream.linear.scatter [tilespmem:s16], [sflag:$0x1], $0x4000, $0x38;
	[tilespmem:$0x9000] =	vst v63  }
0x20: {  	_ =	swait.ge [sflag:s17], $0x4000  }
0x21: {  	[sflag:s17] =	ssyncset.done $0x0  }
0x22: {  	[sflag:s17] =	ssyncadd.s32 $0xFFFFC000  }
0x23: {  	[spmem:s9] =	stream.linear.scatter [tilespmem:s16], [sflag:$0x1], $0x4000, $0x38;
	[tilespmem:$0x9000] =	vst v63  }
0x24: {  	_ =	swait.ge [sflag:s17], $0x4000  }
0x25: {  	[sflag:s17] =	ssyncset.done $0x0  }
0x26: {  	[sflag:s17] =	ssyncadd.s32 $0xFFFFC000  }
0x27: {  	[spmem:s10] =	stream.linear.scatter [tilespmem:s16], [sflag:$0x1], $0x4000, $0x38;
	[tilespmem:$0x9000] =	vst v63  }
0x28: {  	_ =	swait.ge [sflag:s17], $0x4000  }
0x29: {  	[sflag:s17] =	ssyncset.done $0x0  }
0x2a: {  	[sflag:s17] =	ssyncadd.s32 $0xFFFFC000  }
0x2b: {  	[spmem:s11] =	stream.linear.scatter [tilespmem:s16], [sflag:$0x1], $0x4000, $0x38;
	[tilespmem:$0x9000] =	vst v63  }
0x2c: {  	_ =	swait.ge [sflag:s17], $0x4000  }
0x2d: {  	[sflag:s17] =	ssyncset.done $0x0  }
0x2e: {  	s23 =	simm.s32 $0x200;
	s24 =	simm.s32 $0x0;
	[sflag:s17] =	ssyncadd.s32 $0xFFFFC000  }
.LBB2_4:
0x2f: {  	p0 =	sne.s32 s23, $0xFE00;
	[tilespmem:s24+$0x2800] =	vst v1;
	s24 =	smov.u32 s23;
	s23 =	sadd.s32 $0x200, s23  }
.Ltmp1:
0x30: {  	(pc) =	sbr.rel @p0 .LBB2_4-.Ltmp1, $2  }
0x31: {  	_ =	sdelay $0x2  }
0x32: {  	s24 =	sshra.s32 s24, $0x2  }
0x33: {  	[tilespmem:s24+$0x2800] =	vst v1  }
0x34: {  	s23 =	simm.s32 $0x0;
	[bflag:$0x0] =	sbarrier.arrive $0xFFFF  }
0x35: {  	[tilespmem:s23], [sflag:$0x1] =	stream.linear.gather [hbm4b:s5+s23], $0x2780, $0x38;
	[tilespmem:$0x9000] =	vst v63  }
0x36: {  	_ =	swait.ge [sflag:s17], $0x2780  }
0x37: {  	[sflag:s17] =	ssyncset.done $0x0  }
0x38: {  	s31 =	simm.s32 $0x0;
	[sflag:s17] =	ssyncadd.s32 $0xFFFFD880  }
0x39: {  	[spmem:s2] =	stream.indirect.scatter.add.f32 [tilespmem:s16], [sflag:$0x1], $0x10, s31, s18, $0xb8;
	[tilespmem:$0x9000] =	vst v63  }
0x3a: {  	_ =	swait.ge [sflag:s17], $0x800  }
0x3b: {  	s23 =	simm.s32 $0x200;
	[sflag:s17] =	ssyncset.done $0x0  }
.LBB2_6:
0x3c: {  	s24 =	sshra.s32 s23, $0x2;
	[sflag:s17] =	ssyncadd.s32 $0xFFFFF800;
	p0 =	sne.s32 s23, $0x9C00  }
0x3d: {  	[spmem:s2] =	stream.indirect.scatter.add.f32 [tilespmem:s16], [sflag:$0x1], $0x10, s24, s18, $0xb8;
	[tilespmem:$0x9000] =	vst v63  }
.Ltmp2:
0x3e: {  	_ = 	snop;
	(pc) =	sbr.rel @p0 .LBB2_6-.Ltmp2, $4  }
0x3f: {  	_ = 	snop  }
0x40: {  	s23 =	sadd.s32 $0x200, s23  }
0x41: {  	_ =	swait.ge [sflag:s17], $0x800  }
0x42: {  	[sflag:s17] =	ssyncset.done $0x0  }
0x43: {  	[sflag:s17] =	ssyncadd.s32 $0xFFFFF800;
	s23 =	sshll.u32 s0, $0x6  }
0x44: {  	s24 =	sshrl.u32 s4, $0x3;
	[bflag:$0x0] =	sbarrier.arrive $0xFFFF;
	s23 =	sor.u32 $0x1C01, s23  }
0x45: {  	[hbm:s6], [sflag:s23] =	dma.local [spmem:s24], $0x800  }
0x46: {  	_ =	swait.ge [sflag:s17], $0x800  }
0x47: {  	[sflag:s17] =	ssyncset.done $0x0  }
0x48: {  	[sflag:s17] =	ssyncadd.s32 $0xFFFFF800  }
0x49: {  	[hbm:s12], [sflag:s23] =	dma.local [spmem:s19], $0x800  }
0x4a: {  	_ =	swait.ge [sflag:s17], $0x800  }
0x4b: {  	[sflag:s17] =	ssyncset.done $0x0  }
0x4c: {  	[sflag:s17] =	ssyncadd.s32 $0xFFFFF800  }
0x4d: {  	[hbm:s13], [sflag:s23] =	dma.local [spmem:s20], $0x800  }
0x4e: {  	_ =	swait.ge [sflag:s17], $0x800  }
0x4f: {  	[sflag:s17] =	ssyncset.done $0x0  }
0x50: {  	[sflag:s17] =	ssyncadd.s32 $0xFFFFF800  }
0x51: {  	[hbm:s14], [sflag:s23] =	dma.local [spmem:s21], $0x800  }
0x52: {  	s3 =	sadd.s32 $0x1, s3;
	_ =	swait.ge [sflag:s17], $0x800  }
0x53: {  	p0 =	sne.s32 s3, s7;
	[sflag:s17] =	ssyncset.done $0x0  }
.Ltmp3:
0x54: {  	[sflag:s17] =	ssyncadd.s32 $0xFFFFF800;
	(pc) =	sbr.rel @p0 .LBB2_1-.Ltmp3, $4  }
0x55: {  	[hbm:s15], [sflag:s23] =	dma.local [spmem:s22], $0x800  }
0x56: {  	_ =	swait.ge [sflag:s17], $0x800  }
0x57: {  	[sflag:s17] =	ssyncset.done $0x0  }
0x58: {  	[sflag:s17] =	ssyncadd.s32 $0xFFFFF800  }
0x59: {  	_ =	sfence.sel $0x180000  }
0x5a: {  	[bflag:$0x0] =	sbarrier.arrive $0xFFFF  }
0x5b: {  	p0 =	sne.s32 s0, $0x0;
	_ =	strace $0x90000047  }
0x5c: {  	s0 =	sadd.s32 @!p0 $0x100000, s1;
	[bflag:$0x2] =	sbarrier.arrive $0xFFFF  }
0x5d: {  	[sflag:s0] =	ssyncadd.tile.s32 @!p0 $0x1;
	_ =	shalt  }
.Lfunc_end2:
_tile_overlayer_lowered:
.L_overlay_start_2:
0x5e: {  	(tag) =	ssettag $0x2  }
0x5f: {  	s0 =	rddreg [dreg:$0x0];
	s2 =	stileid.u32  }
0x60: {  	s1 =	rddreg [dreg:$0x1];
	p0 =	sne.s32 s2, $0x0  }
0x61: {  	s3 =	rddreg [dreg:$0x2];
	[bflag:$0x3] =	sbarrier.arrive $0xFFFF;
	s2 =	simm.s32 @!p0 $0x1C01  }
0x62: {  	[timem:s3], [sflag:s2] =	dma.local @!p0 [hbm:s0], s1  }
0x63: {  	s0 =	simm.s32 @!p0 $0x1  }
0x64: {  	_ =	swait.ge @!p0 [sflag:s0], s1  }
0x65: {  	s1 =	ssub.s32 @!p0 $0x0, s1;
	[sflag:s0] =	ssyncset.done @!p0 $0x0  }
0x66: {  	[sflag:s0] =	ssyncadd.s32 @!p0 s1  }
0x67: {  	[bflag:$0x3] =	sbarrier.arrive $0xFFFF  }
0x68: {  	_ =	shalt  }

</sc_bundles>
